<compile_context>
chip_gen: v7x
topology: tpu7x:2x2x1
jax: 0.10.2.dev20260603
libtpu: 0.0.44.dev20260713+nightly
codegen_flags: <defaults>
</compile_context>

<pallas_src>
import jax
import jax.numpy as jnp
from jax import lax
from jax.experimental import pallas as pl
from jax.experimental.pallas import tpu as pltpu
from jax.experimental.pallas import tpu_sc as plsc

R = 65536
S = 64
NB = S + 1
OUT = 2 * S + 1
L = 16
NW = 32
SLAB = 128
CH = 2
NCOL = 132
QUADS = SLAB // (CH * L)
SLABS = R // NW // SLAB
HIST_PAD = 0.01
U0 = 1.0 / (2 * NB)
DU = (1.0 - 1.0 / NB) / (NB - 1)


def _body(bins_hbm, w_hbm, near_hbm, far_hbm,
          out_hbm,
          bins_a, w_a, near_a, far_a, bins_b, w_b, near_b, far_b,
          cdf_v, newb_v, out_v, sem_a, sem_b):
    wid = lax.axis_index("s") * 2 + lax.axis_index("c")
    iota = lax.iota(jnp.int32, L)
    zf = jnp.zeros((L,), jnp.float32)
    zi = jnp.zeros((L,), jnp.int32)
    crow = [iota + c * L for c in range(CH)]
    bufs = ((bins_a, w_a, near_a, far_a, sem_a),
            (bins_b, w_b, near_b, far_b, sem_b))

    def in_copies(sl, buf):
        bins_v, w_v, near_v, far_v, sem = buf
        base = wid * (SLABS * SLAB) + sl * SLAB
        return (pltpu.make_async_copy(bins_hbm.at[pl.ds(base, SLAB)], bins_v, sem),
                pltpu.make_async_copy(w_hbm.at[pl.ds(base, SLAB)], w_v, sem),
                pltpu.make_async_copy(near_hbm.at[pl.ds(base, SLAB)], near_v, sem),
                pltpu.make_async_copy(far_hbm.at[pl.ds(base, SLAB)], far_v, sem))

    def start_in(sl, buf):
        for cp in in_copies(sl, buf):
            cp.start()

    def wait_in(sl, buf):
        for cp in in_copies(sl, buf):
            cp.wait()

    def compute(sl, buf):
        bins_v, w_v, near_v, far_v, _ = buf
        base = wid * (SLABS * SLAB) + sl * SLAB

        def quad(q, _):
            row = [iota + (q * CH + c) * L for c in range(CH)]

            def cum(k, cs):
                fk = jnp.full((L,), k, jnp.int32)
                nxt = []
                for c in range(CH):
                    v = plsc.load_gather(w_v, [row[c], fk])
                    acc = cs[c] + (v + HIST_PAD)
                    plsc.store_scatter(cdf_v, [crow[c], fk + 1], acc)
                    nxt.append(acc)
                return tuple(nxt)
            wsum = plsc.parallel_loop(0, S, carry=(zf,) * CH, unroll=8)(cum)
            fNB = jnp.full((L,), NB, jnp.int32)
            inf = jnp.full((L,), jnp.inf, jnp.float32)
            for c in range(CH):
                plsc.store_scatter(cdf_v, [crow[c], fNB], inf)
            u0w = [jnp.full((L,), U0, jnp.float32) * wsum[c] for c in range(CH)]
            duw = [jnp.full((L,), DU, jnp.float32) * wsum[c] for c in range(CH)]
            b0i = [plsc.load_gather(bins_v, [row[c], zi]) for c in range(CH)]

            def step(_, st):
                nxt = []
                for c in range(CH):
                    kv, jv, c0, b0, jf = st[c]
                    uw = jf * duw[c] + u0w[c]
                    c1 = plsc.load_gather(cdf_v, [crow[c], kv + 1])
                    adv = c1 <= uw
                    b1 = plsc.load_gather(bins_v,
                                          [row[c], jnp.minimum(kv + 1, S)])
                    t = jnp.clip((uw - c0) / (c1 - c0), 0.0, 1.0)
                    plsc.store_scatter(newb_v, [crow[c], jv],
                                       b0 + t * (b1 - b0), mask=~adv)
                    nxt.append((kv + adv.astype(jnp.int32),
                                jv + (~adv).astype(jnp.int32),
                                jnp.where(adv, c1, c0),
                                jnp.where(adv, b1, b0),
                                jf + jnp.where(adv, 0.0, 1.0)))
                return tuple(nxt)
            plsc.parallel_loop(0, S + NB + 1,
                               carry=tuple((zi, zi, zf, b0i[c], zf)
                                           for c in range(CH)))(step)

            near = [plsc.load_gather(near_v, [row[c]]) for c in range(CH)]
            span = [plsc.load_gather(far_v, [row[c]]) - near[c]
                    for c in range(CH)]
            fS = jnp.full((L,), S, jnp.int32)
            fO = jnp.full((L,), 2 * S, jnp.int32)
            for c in range(CH):
                ends = jnp.maximum(plsc.load_gather(bins_v, [row[c], fS]),
                                   plsc.load_gather(newb_v, [crow[c], fS]))
                plsc.store_scatter(out_v, [row[c], fO],
                                   near[c] + ends * span[c])
                plsc.store_scatter(newb_v, [crow[c], fS], inf)

            def merge(pp, st):
                fp = jnp.full((L,), pp, jnp.int32)
                nxt = []
                for c in range(CH):
                    iv, jv = st[c]
                    a = plsc.load_gather(bins_v, [row[c], iv])
                    b = plsc.load_gather(newb_v, [crow[c], jv])
                    take = a < b
                    plsc.store_scatter(out_v, [row[c], fp],
                                       near[c] + jnp.minimum(a, b) * span[c])
                    nxt.append((iv + take.astype(jnp.int32),
                                jv + (~take).astype(jnp.int32)))
                return tuple(nxt)
            plsc.parallel_loop(0, 2 * S, carry=((zi, zi),) * CH,
                               unroll=4)(merge)
            return 0

        lax.fori_loop(0, QUADS, quad, 0)
        pltpu.sync_copy(out_v, out_hbm.at[pl.ds(base, SLAB)])

    start_in(0, bufs[0])

    def pair(sp, _):
        s0 = 2 * sp
        wait_in(s0, bufs[0])
        start_in(s0 + 1, bufs[1])
        compute(s0, bufs[0])
        wait_in(s0 + 1, bufs[1])

        @pl.when(sp < SLABS // 2 - 1)
        def _():
            start_in(s0 + 2, bufs[0])

        compute(s0 + 1, bufs[1])
        return 0

    lax.fori_loop(0, SLABS // 2, pair, 0)


@jax.jit
def kernel(spacing_bins, weights, nears, fars):
    mesh = plsc.VectorSubcoreMesh(core_axis_name="c", subcore_axis_name="s")
    in_set = [
        pltpu.VMEM((SLAB, NB), jnp.float32),
        pltpu.VMEM((SLAB, S), jnp.float32),
        pltpu.VMEM((SLAB,), jnp.float32),
        pltpu.VMEM((SLAB,), jnp.float32),
    ]
    fn = pl.kernel(
        _body,
        out_type=jax.ShapeDtypeStruct((R, OUT), jnp.float32),
        mesh=mesh,
        compiler_params=pltpu.CompilerParams(needs_layout_passes=False),
        scratch_types=in_set + in_set + [
            pltpu.VMEM((CH * L, NB + 1), jnp.float32),
            pltpu.VMEM((CH * L, NCOL), jnp.float32),
            pltpu.VMEM((SLAB, OUT), jnp.float32),
            pltpu.SemaphoreType.DMA,
            pltpu.SemaphoreType.DMA,
        ],
    )
    return fn(spacing_bins, weights, nears.reshape(R), fars.reshape(R))

# --- scband reference (transcript-rebuilt; emitter-appended) ---
"""Pipeline reference for scband-neu-ssampler-30468497998319 (READ-ONLY COPY).

The authoritative reference and input builder live on the scoring server;
editing this copy changes nothing except your own understanding.
"""

import jax, jax.numpy as jnp
import numpy as np

NUM_IMPORTANCE = 64
HIST_PAD = 0.01


def setup_inputs(seed: int = 0) -> dict:
    key = jax.random.key(seed)
    k1, k2, k3, k4 = jax.random.split(key, 4)
    R, S = 65536, 64
    # spacing bins must be sorted/monotone along the ray (normalized [0,1] spacing)
    spacing_bins = jnp.sort(jax.random.uniform(k1, (R, S + 1), dtype=jnp.float32), axis=-1)
    weights = jax.random.uniform(k2, (R, S), dtype=jnp.float32)
    nears = jax.random.uniform(k3, (R, 1), dtype=jnp.float32) * 0.5 + 0.05
    fars = nears + 1.0 + jax.random.uniform(k4, (R, 1), dtype=jnp.float32) * 3.0
    return {"spacing_bins": spacing_bins, "weights": weights, "nears": nears, "fars": fars}


def _sample_pdf(spacing_bins, weights, eps=1e-5):
    # PDFSampler.generate_ray_samples core (eval mode: deterministic u, no jitter)
    num_bins = NUM_IMPORTANCE + 1
    w = weights + HIST_PAD
    wsum = jnp.sum(w, axis=-1, keepdims=True)
    padding = jax.nn.relu(eps - wsum)
    w = w + padding / w.shape[-1]
    wsum = wsum + padding
    pdf = w / wsum
    cdf = jnp.minimum(jnp.ones_like(pdf), jnp.cumsum(pdf, axis=-1))
    cdf = jnp.concatenate([jnp.zeros_like(cdf[..., :1]), cdf], axis=-1)
    u = jnp.linspace(0.0, 1.0 - 1.0 / num_bins, num_bins, dtype=cdf.dtype) + 1.0 / (2 * num_bins)
    u = jnp.broadcast_to(u, (*cdf.shape[:-1], num_bins))
    inds = jax.vmap(lambda c, uu: jnp.searchsorted(c, uu, side='right'))(cdf, u)
    last = spacing_bins.shape[-1] - 1
    below = jnp.clip(inds - 1, 0, last)
    above = jnp.clip(inds, 0, last)
    cdf_g0 = jnp.take_along_axis(cdf, below, axis=-1)
    bins_g0 = jnp.take_along_axis(spacing_bins, below, axis=-1)
    cdf_g1 = jnp.take_along_axis(cdf, above, axis=-1)
    bins_g1 = jnp.take_along_axis(spacing_bins, above, axis=-1)
    t = jnp.clip(jnp.nan_to_num((u - cdf_g0) / (cdf_g1 - cdf_g0), nan=0.0), 0.0, 1.0)
    new_bins = bins_g0 + t * (bins_g1 - bins_g0)
    return new_bins


def reference(spacing_bins, weights, nears, fars):
    # One NeuS up-sample step: PDF importance sampling + merge_ray_samples
    new_bins = _sample_pdf(spacing_bins, weights)
    starts_1 = spacing_bins[..., :-1]
    starts_2 = new_bins[..., :-1]
    ends = jnp.maximum(spacing_bins[..., -1:], new_bins[..., -1:])
    merged = jnp.sort(jnp.concatenate([starts_1, starts_2], axis=-1), axis=-1)
    merged = jnp.concatenate([merged, ends], axis=-1)
    merged = jax.lax.stop_gradient(merged)  # bins.detach() in torch
    # spacing_to_euclidean_fn: linear spacing between near and far
    euclidean_bins = nears + merged * (fars - nears)
    return euclidean_bins

if __name__ == "__main__":
    import jax
    _d = setup_inputs()
    print(jax.jit(kernel)(*tuple(_d.values())))

</pallas_src>

<mosaic_0001>
#map = affine_map<(d0, d1) -> (0, 0)>
#map1 = affine_map<(d0, d1) -> (0)>
module attributes {stable_mosaic.version = 14 : i64} {
  func.func @_body(%arg0: i32, %arg1: i32, %arg2: memref<65536x65xf32, #tpu.memory_space<hbm>>, %arg3: memref<65536x64xf32, #tpu.memory_space<hbm>>, %arg4: memref<65536xf32, #tpu.memory_space<hbm>>, %arg5: memref<65536xf32, #tpu.memory_space<hbm>>, %arg6: memref<65536x129xf32, #tpu.memory_space<hbm>>, %arg7: memref<128x65xf32, #tpu.memory_space<vmem>>, %arg8: memref<128x64xf32, #tpu.memory_space<vmem>>, %arg9: memref<128xf32, #tpu.memory_space<vmem>>, %arg10: memref<128xf32, #tpu.memory_space<vmem>>, %arg11: memref<128x65xf32, #tpu.memory_space<vmem>>, %arg12: memref<128x64xf32, #tpu.memory_space<vmem>>, %arg13: memref<128xf32, #tpu.memory_space<vmem>>, %arg14: memref<128xf32, #tpu.memory_space<vmem>>, %arg15: memref<32x66xf32, #tpu.memory_space<vmem>>, %arg16: memref<32x132xf32, #tpu.memory_space<vmem>>, %arg17: memref<128x129xf32, #tpu.memory_space<vmem>>, %arg18: memref<!tpu.dma_semaphore, #tpu.memory_space<semaphore_mem>>, %arg19: memref<!tpu.dma_semaphore, #tpu.memory_space<semaphore_mem>>) attributes {dimension_semantics = [#tpu.dimension_semantics<core_parallel>, #tpu.dimension_semantics<subcore_parallel>], iteration_bounds = array<i64: 2, 16>, scalar_prefetch = 0 : i64, scratch_operands = 13 : i64, tpu.core_type = #tpu.core_type<sc_vector_subcore>, window_params = [{transform_indices = #map}, {transform_indices = #map}, {transform_indices = #map1}, {transform_indices = #map1}, {transform_indices = #map}]} {
    %mul3A = arith.constant 2 : i32
    %mul3A_0 = arith.muli %arg1, %mul3A : i32
    %add3A = arith.addi %mul3A_0, %arg0 : i32
    %iota3A = tpu.iota {dimensions = array<i32: 0>} : vector<16xi32>
    %broadcast_in_dim3A = arith.constant 0.000000e+00 : f32
    %broadcast_in_dim3A_1 = vector.broadcast %broadcast_in_dim3A : f32 to vector<16xf32>
    %broadcast_in_dim3A_2 = arith.constant 0 : i32
    %broadcast_in_dim3A_3 = vector.broadcast %broadcast_in_dim3A_2 : i32 to vector<16xi32>
    %add3A_4 = arith.constant 0 : i32
    %add3A_5 = vector.broadcast %add3A_4 : i32 to vector<16xi32>
    %add3A_6 = arith.addi %iota3A, %add3A_5 : vector<16xi32>
    %add3A_7 = arith.constant 16 : i32
    %add3A_8 = vector.broadcast %add3A_7 : i32 to vector<16xi32>
    %add3A_9 = arith.addi %iota3A, %add3A_8 : vector<16xi32>
    %mul3A_10 = arith.constant 2048 : i32
    %mul3A_11 = arith.muli %add3A, %mul3A_10 : i32
    %add3A_12 = arith.constant 0 : i32
    %add3A_13 = arith.addi %mul3A_11, %add3A_12 : i32
    %dma_start3A = arith.constant 0 : i32
    %dma_start3A_14 = tpu.memref_slice %arg2[%add3A_13, %dma_start3A] : memref<65536x65xf32, #tpu.memory_space<hbm>> -> memref<128x65xf32, #tpu.memory_space<hbm>>
    %dma_start3A_15 = arith.constant 0 : i32
    %dma_start3A_16 = tpu.memref_slice %arg2[%add3A_13, %dma_start3A_15] : memref<65536x65xf32, #tpu.memory_space<hbm>> -> memref<128x65xf32, #tpu.memory_space<hbm>>
    tpu.enqueue_dma source(%dma_start3A_16 : memref<128x65xf32, #tpu.memory_space<hbm>>) target(%arg7 : memref<128x65xf32, #tpu.memory_space<vmem>>) target_semaphore(%arg18 : memref<!tpu.dma_semaphore, #tpu.memory_space<semaphore_mem>>)
    %dma_start3A_17 = arith.constant 0 : i32
    %dma_start3A_18 = tpu.memref_slice %arg3[%add3A_13, %dma_start3A_17] : memref<65536x64xf32, #tpu.memory_space<hbm>> -> memref<128x64xf32, #tpu.memory_space<hbm>>
    %dma_start3A_19 = arith.constant 0 : i32
    %dma_start3A_20 = tpu.memref_slice %arg3[%add3A_13, %dma_start3A_19] : memref<65536x64xf32, #tpu.memory_space<hbm>> -> memref<128x64xf32, #tpu.memory_space<hbm>>
    tpu.enqueue_dma source(%dma_start3A_20 : memref<128x64xf32, #tpu.memory_space<hbm>>) target(%arg8 : memref<128x64xf32, #tpu.memory_space<vmem>>) target_semaphore(%arg18 : memref<!tpu.dma_semaphore, #tpu.memory_space<semaphore_mem>>)
    %dma_start3A_21 = tpu.memref_slice %arg4[%add3A_13] : memref<65536xf32, #tpu.memory_space<hbm>> -> memref<128xf32, #tpu.memory_space<hbm>>
    %dma_start3A_22 = tpu.memref_slice %arg4[%add3A_13] : memref<65536xf32, #tpu.memory_space<hbm>> -> memref<128xf32, #tpu.memory_space<hbm>>
    tpu.enqueue_dma source(%dma_start3A_22 : memref<128xf32, #tpu.memory_space<hbm>>) target(%arg9 : memref<128xf32, #tpu.memory_space<vmem>>) target_semaphore(%arg18 : memref<!tpu.dma_semaphore, #tpu.memory_space<semaphore_mem>>)
    %dma_start3A_23 = tpu.memref_slice %arg5[%add3A_13] : memref<65536xf32, #tpu.memory_space<hbm>> -> memref<128xf32, #tpu.memory_space<hbm>>
    %dma_start3A_24 = tpu.memref_slice %arg5[%add3A_13] : memref<65536xf32, #tpu.memory_space<hbm>> -> memref<128xf32, #tpu.memory_space<hbm>>
    tpu.enqueue_dma source(%dma_start3A_24 : memref<128xf32, #tpu.memory_space<hbm>>) target(%arg10 : memref<128xf32, #tpu.memory_space<vmem>>) target_semaphore(%arg18 : memref<!tpu.dma_semaphore, #tpu.memory_space<semaphore_mem>>)
    %scan3A = arith.constant 0 : i32
    %scan3A_25 = arith.constant 0 : i32
    %scan3A_26 = arith.constant 8 : i32
    %scan3A_27 = arith.addi %scan3A_25, %scan3A_26 : i32
    %scan3A_28 = arith.constant 1 : i32
    %scan3A_29 = scf.for %scan3A_31 = %scan3A_25 to %scan3A_27 step %scan3A_28 iter_args(%scan3A_32 = %scan3A) -> (i32)  : i32 {
      %mul3A_33 = arith.constant 2 : i32
      %mul3A_34 = arith.muli %mul3A_33, %scan3A_31 : i32
      %mul3A_35 = arith.constant 2048 : i32
      %mul3A_36 = arith.muli %add3A, %mul3A_35 : i32
      %mul3A_37 = arith.constant 128 : i32
      %mul3A_38 = arith.muli %mul3A_34, %mul3A_37 : i32
      %add3A_39 = arith.addi %mul3A_36, %mul3A_38 : i32
      %dma_wait3A = arith.constant 0 : i32
      %dma_wait3A_40 = tpu.memref_slice %arg2[%add3A_39, %dma_wait3A] : memref<65536x65xf32, #tpu.memory_space<hbm>> -> memref<128x65xf32, #tpu.memory_space<hbm>>
      %dma_wait3A_41 = arith.constant 0 : i32
      %dma_wait3A_42 = tpu.memref_slice %arg2[%add3A_39, %dma_wait3A_41] : memref<65536x65xf32, #tpu.memory_space<hbm>> -> memref<128x65xf32, #tpu.memory_space<hbm>>
      tpu.wait_dma2 semaphore(%arg18 : memref<!tpu.dma_semaphore, #tpu.memory_space<semaphore_mem>>) src(%dma_wait3A_42 : memref<128x65xf32, #tpu.memory_space<hbm>>) dst(%arg7 : memref<128x65xf32, #tpu.memory_space<vmem>>)
      %dma_wait3A_43 = arith.constant 0 : i32
      %dma_wait3A_44 = tpu.memref_slice %arg3[%add3A_39, %dma_wait3A_43] : memref<65536x64xf32, #tpu.memory_space<hbm>> -> memref<128x64xf32, #tpu.memory_space<hbm>>
      %dma_wait3A_45 = arith.constant 0 : i32
      %dma_wait3A_46 = tpu.memref_slice %arg3[%add3A_39, %dma_wait3A_45] : memref<65536x64xf32, #tpu.memory_space<hbm>> -> memref<128x64xf32, #tpu.memory_space<hbm>>
      tpu.wait_dma2 semaphore(%arg18 : memref<!tpu.dma_semaphore, #tpu.memory_space<semaphore_mem>>) src(%dma_wait3A_46 : memref<128x64xf32, #tpu.memory_space<hbm>>) dst(%arg8 : memref<128x64xf32, #tpu.memory_space<vmem>>)
      %dma_wait3A_47 = tpu.memref_slice %arg4[%add3A_39] : memref<65536xf32, #tpu.memory_space<hbm>> -> memref<128xf32, #tpu.memory_space<hbm>>
      %dma_wait3A_48 = tpu.memref_slice %arg4[%add3A_39] : memref<65536xf32, #tpu.memory_space<hbm>> -> memref<128xf32, #tpu.memory_space<hbm>>
      tpu.wait_dma2 semaphore(%arg18 : memref<!tpu.dma_semaphore, #tpu.memory_space<semaphore_mem>>) src(%dma_wait3A_48 : memref<128xf32, #tpu.memory_space<hbm>>) dst(%arg9 : memref<128xf32, #tpu.memory_space<vmem>>)
      %dma_wait3A_49 = tpu.memref_slice %arg5[%add3A_39] : memref<65536xf32, #tpu.memory_space<hbm>> -> memref<128xf32, #tpu.memory_space<hbm>>
      %dma_wait3A_50 = tpu.memref_slice %arg5[%add3A_39] : memref<65536xf32, #tpu.memory_space<hbm>> -> memref<128xf32, #tpu.memory_space<hbm>>
      tpu.wait_dma2 semaphore(%arg18 : memref<!tpu.dma_semaphore, #tpu.memory_space<semaphore_mem>>) src(%dma_wait3A_50 : memref<128xf32, #tpu.memory_space<hbm>>) dst(%arg10 : memref<128xf32, #tpu.memory_space<vmem>>)
      %add3A_51 = arith.constant 1 : i32
      %add3A_52 = arith.addi %mul3A_34, %add3A_51 : i32
      %mul3A_53 = arith.constant 2048 : i32
      %mul3A_54 = arith.muli %add3A, %mul3A_53 : i32
      %mul3A_55 = arith.constant 128 : i32
      %mul3A_56 = arith.muli %add3A_52, %mul3A_55 : i32
      %add3A_57 = arith.addi %mul3A_54, %mul3A_56 : i32
      %dma_start3A_58 = arith.constant 0 : i32
      %dma_start3A_59 = tpu.memref_slice %arg2[%add3A_57, %dma_start3A_58] : memref<65536x65xf32, #tpu.memory_space<hbm>> -> memref<128x65xf32, #tpu.memory_space<hbm>>
      %dma_start3A_60 = arith.constant 0 : i32
      %dma_start3A_61 = tpu.memref_slice %arg2[%add3A_57, %dma_start3A_60] : memref<65536x65xf32, #tpu.memory_space<hbm>> -> memref<128x65xf32, #tpu.memory_space<hbm>>
      tpu.enqueue_dma source(%dma_start3A_61 : memref<128x65xf32, #tpu.memory_space<hbm>>) target(%arg11 : memref<128x65xf32, #tpu.memory_space<vmem>>) target_semaphore(%arg19 : memref<!tpu.dma_semaphore, #tpu.memory_space<semaphore_mem>>)
      %dma_start3A_62 = arith.constant 0 : i32
      %dma_start3A_63 = tpu.memref_slice %arg3[%add3A_57, %dma_start3A_62] : memref<65536x64xf32, #tpu.memory_space<hbm>> -> memref<128x64xf32, #tpu.memory_space<hbm>>
      %dma_start3A_64 = arith.constant 0 : i32
      %dma_start3A_65 = tpu.memref_slice %arg3[%add3A_57, %dma_start3A_64] : memref<65536x64xf32, #tpu.memory_space<hbm>> -> memref<128x64xf32, #tpu.memory_space<hbm>>
      tpu.enqueue_dma source(%dma_start3A_65 : memref<128x64xf32, #tpu.memory_space<hbm>>) target(%arg12 : memref<128x64xf32, #tpu.memory_space<vmem>>) target_semaphore(%arg19 : memref<!tpu.dma_semaphore, #tpu.memory_space<semaphore_mem>>)
      %dma_start3A_66 = tpu.memref_slice %arg4[%add3A_57] : memref<65536xf32, #tpu.memory_space<hbm>> -> memref<128xf32, #tpu.memory_space<hbm>>
      %dma_start3A_67 = tpu.memref_slice %arg4[%add3A_57] : memref<65536xf32, #tpu.memory_space<hbm>> -> memref<128xf32, #tpu.memory_space<hbm>>
      tpu.enqueue_dma source(%dma_start3A_67 : memref<128xf32, #tpu.memory_space<hbm>>) target(%arg13 : memref<128xf32, #tpu.memory_space<vmem>>) target_semaphore(%arg19 : memref<!tpu.dma_semaphore, #tpu.memory_space<semaphore_mem>>)
      %dma_start3A_68 = tpu.memref_slice %arg5[%add3A_57] : memref<65536xf32, #tpu.memory_space<hbm>> -> memref<128xf32, #tpu.memory_space<hbm>>
      %dma_start3A_69 = tpu.memref_slice %arg5[%add3A_57] : memref<65536xf32, #tpu.memory_space<hbm>> -> memref<128xf32, #tpu.memory_space<hbm>>
      tpu.enqueue_dma source(%dma_start3A_69 : memref<128xf32, #tpu.memory_space<hbm>>) target(%arg14 : memref<128xf32, #tpu.memory_space<vmem>>) target_semaphore(%arg19 : memref<!tpu.dma_semaphore, #tpu.memory_space<semaphore_mem>>)
      %mul3A_70 = arith.constant 2048 : i32
      %mul3A_71 = arith.muli %add3A, %mul3A_70 : i32
      %mul3A_72 = arith.constant 128 : i32
      %mul3A_73 = arith.muli %mul3A_34, %mul3A_72 : i32
      %add3A_74 = arith.addi %mul3A_71, %mul3A_73 : i32
      %scan3A_75 = arith.constant 0 : i32
      %scan3A_76 = arith.constant 0 : i32
      %scan3A_77 = arith.constant 4 : i32
      %scan3A_78 = arith.addi %scan3A_76, %scan3A_77 : i32
      %scan3A_79 = arith.constant 1 : i32
      %scan3A_80 = scf.for %scan3A_118 = %scan3A_76 to %scan3A_78 step %scan3A_79 iter_args(%scan3A_119 = %scan3A_75) -> (i32)  : i32 {
        %mul3A_120 = arith.constant 2 : i32
        %mul3A_121 = arith.muli %scan3A_118, %mul3A_120 : i32
        %add3A_122 = arith.constant 0 : i32
        %add3A_123 = arith.addi %mul3A_121, %add3A_122 : i32
        %mul3A_124 = arith.constant 16 : i32
        %mul3A_125 = arith.muli %add3A_123, %mul3A_124 : i32
        %add3A_126 = vector.broadcast %mul3A_125 : i32 to vector<16xi32>
        %add3A_127 = arith.addi %iota3A, %add3A_126 : vector<16xi32>
        %mul3A_128 = arith.constant 2 : i32
        %mul3A_129 = arith.muli %scan3A_118, %mul3A_128 : i32
        %add3A_130 = arith.constant 1 : i32
        %add3A_131 = arith.addi %mul3A_129, %add3A_130 : i32
        %mul3A_132 = arith.constant 16 : i32
        %mul3A_133 = arith.muli %add3A_131, %mul3A_132 : i32
        %add3A_134 = vector.broadcast %mul3A_133 : i32 to vector<16xi32>
        %add3A_135 = arith.addi %iota3A, %add3A_134 : vector<16xi32>
        %parallel_loop3A = arith.constant 0 : i32
        %parallel_loop3A_136 = arith.constant 64 : i32
        %parallel_loop3A_137 = arith.constant 1 : i32
        %parallel_loop3A_138:2 = scf.for %parallel_loop3A_183 = %parallel_loop3A to %parallel_loop3A_136 step %parallel_loop3A_137 iter_args(%parallel_loop3A_184 = %broadcast_in_dim3A_1, %parallel_loop3A_185 = %broadcast_in_dim3A_1) -> (vector<16xf32>, vector<16xf32>)  : i32 {
          %parallel_loop3A_186 = vector.broadcast %parallel_loop3A_183 : i32 to vector<16xi32>
          %parallel_loop3A_187 = tpu.vector_load_idx %arg8[%add3A_127, %parallel_loop3A_186] : memref<128x64xf32, #tpu.memory_space<vmem>>[vector<16xi32>, vector<16xi32>], vector<16xf32>,
          %parallel_loop3A_188 = arith.constant 0.00999999977 : f32
          %parallel_loop3A_189 = vector.broadcast %parallel_loop3A_188 : f32 to vector<16xf32>
          %parallel_loop3A_190 = arith.addf %parallel_loop3A_187, %parallel_loop3A_189 : vector<16xf32>
          %parallel_loop3A_191 = arith.addf %parallel_loop3A_184, %parallel_loop3A_190 : vector<16xf32>
          %parallel_loop3A_192 = arith.constant 1 : i32
          %parallel_loop3A_193 = vector.broadcast %parallel_loop3A_192 : i32 to vector<16xi32>
          %parallel_loop3A_194 = arith.addi %parallel_loop3A_186, %parallel_loop3A_193 : vector<16xi32>
          tpu.vector_store_idx %arg15[%add3A_6, %parallel_loop3A_194], %parallel_loop3A_191 : memref<32x66xf32, #tpu.memory_space<vmem>>[vector<16xi32>, vector<16xi32>], vector<16xf32>,
          %parallel_loop3A_195 = tpu.vector_load_idx %arg8[%add3A_135, %parallel_loop3A_186] : memref<128x64xf32, #tpu.memory_space<vmem>>[vector<16xi32>, vector<16xi32>], vector<16xf32>,
          %parallel_loop3A_196 = arith.constant 0.00999999977 : f32
          %parallel_loop3A_197 = vector.broadcast %parallel_loop3A_196 : f32 to vector<16xf32>
          %parallel_loop3A_198 = arith.addf %parallel_loop3A_195, %parallel_loop3A_197 : vector<16xf32>
          %parallel_loop3A_199 = arith.addf %parallel_loop3A_185, %parallel_loop3A_198 : vector<16xf32>
          %parallel_loop3A_200 = arith.constant 1 : i32
          %parallel_loop3A_201 = vector.broadcast %parallel_loop3A_200 : i32 to vector<16xi32>
          %parallel_loop3A_202 = arith.addi %parallel_loop3A_186, %parallel_loop3A_201 : vector<16xi32>
          tpu.vector_store_idx %arg15[%add3A_9, %parallel_loop3A_202], %parallel_loop3A_199 : memref<32x66xf32, #tpu.memory_space<vmem>>[vector<16xi32>, vector<16xi32>], vector<16xf32>,
          scf.yield %parallel_loop3A_191, %parallel_loop3A_199 : vector<16xf32>, vector<16xf32>
        } {sc.loop_unroll_factor = 8 : i64, sc.parallel_access}
        %broadcast_in_dim3A_139 = arith.constant 65 : i32
        %broadcast_in_dim3A_140 = vector.broadcast %broadcast_in_dim3A_139 : i32 to vector<16xi32>
        %broadcast_in_dim3A_141 = arith.constant 0x7F800000 : f32
        %broadcast_in_dim3A_142 = vector.broadcast %broadcast_in_dim3A_141 : f32 to vector<16xf32>
        tpu.vector_store_idx %arg15[%add3A_6, %broadcast_in_dim3A_140], %broadcast_in_dim3A_142 : memref<32x66xf32, #tpu.memory_space<vmem>>[vector<16xi32>, vector<16xi32>], vector<16xf32>,
        tpu.vector_store_idx %arg15[%add3A_9, %broadcast_in_dim3A_140], %broadcast_in_dim3A_142 : memref<32x66xf32, #tpu.memory_space<vmem>>[vector<16xi32>, vector<16xi32>], vector<16xf32>,
        %broadcast_in_dim3A_143 = arith.constant 0.0076923077 : f32
        %broadcast_in_dim3A_144 = vector.broadcast %broadcast_in_dim3A_143 : f32 to vector<16xf32>
        %mul3A_145 = arith.mulf %broadcast_in_dim3A_144, %parallel_loop3A_138#0 : vector<16xf32>
        %broadcast_in_dim3A_146 = arith.constant 0.0076923077 : f32
        %broadcast_in_dim3A_147 = vector.broadcast %broadcast_in_dim3A_146 : f32 to vector<16xf32>
        %mul3A_148 = arith.mulf %broadcast_in_dim3A_147, %parallel_loop3A_138#1 : vector<16xf32>
        %broadcast_in_dim3A_149 = arith.constant 0.0153846154 : f32
        %broadcast_in_dim3A_150 = vector.broadcast %broadcast_in_dim3A_149 : f32 to vector<16xf32>
        %mul3A_151 = arith.mulf %broadcast_in_dim3A_150, %parallel_loop3A_138#0 : vector<16xf32>
        %broadcast_in_dim3A_152 = arith.constant 0.0153846154 : f32
        %broadcast_in_dim3A_153 = vector.broadcast %broadcast_in_dim3A_152 : f32 to vector<16xf32>
        %mul3A_154 = arith.mulf %broadcast_in_dim3A_153, %parallel_loop3A_138#1 : vector<16xf32>
        %gather3A = tpu.vector_load_idx %arg7[%add3A_127, %broadcast_in_dim3A_3] : memref<128x65xf32, #tpu.memory_space<vmem>>[vector<16xi32>, vector<16xi32>], vector<16xf32>,
        %gather3A_155 = tpu.vector_load_idx %arg7[%add3A_135, %broadcast_in_dim3A_3] : memref<128x65xf32, #tpu.memory_space<vmem>>[vector<16xi32>, vector<16xi32>], vector<16xf32>,
        %parallel_loop3A_156 = arith.constant 0 : i32
        %parallel_loop3A_157 = arith.constant 130 : i32
        %parallel_loop3A_158 = arith.constant 1 : i32
        %parallel_loop3A_159:10 = scf.for %parallel_loop3A_183 = %parallel_loop3A_156 to %parallel_loop3A_157 step %parallel_loop3A_158 iter_args(%parallel_loop3A_184 = %broadcast_in_dim3A_3, %parallel_loop3A_185 = %broadcast_in_dim3A_3, %parallel_loop3A_186 = %broadcast_in_dim3A_1, %parallel_loop3A_187 = %gather3A, %parallel_loop3A_188 = %broadcast_in_dim3A_1, %parallel_loop3A_189 = %broadcast_in_dim3A_3, %parallel_loop3A_190 = %broadcast_in_dim3A_3, %parallel_loop3A_191 = %broadcast_in_dim3A_1, %parallel_loop3A_192 = %gather3A_155, %parallel_loop3A_193 = %broadcast_in_dim3A_1) -> (vector<16xi32>, vector<16xi32>, vector<16xf32>, vector<16xf32>, vector<16xf32>, vector<16xi32>, vector<16xi32>, vector<16xf32>, vector<16xf32>, vector<16xf32>)  : i32 {
          %parallel_loop3A_194 = arith.mulf %parallel_loop3A_188, %mul3A_151 : vector<16xf32>
          %parallel_loop3A_195 = arith.addf %parallel_loop3A_194, %mul3A_145 : vector<16xf32>
          %parallel_loop3A_196 = arith.constant 1 : i32
          %parallel_loop3A_197 = vector.broadcast %parallel_loop3A_196 : i32 to vector<16xi32>
          %parallel_loop3A_198 = arith.addi %parallel_loop3A_184, %parallel_loop3A_197 : vector<16xi32>
          %parallel_loop3A_199 = tpu.vector_load_idx %arg15[%add3A_6, %parallel_loop3A_198] : memref<32x66xf32, #tpu.memory_space<vmem>>[vector<16xi32>, vector<16xi32>], vector<16xf32>,
          %parallel_loop3A_200 = arith.cmpf ole, %parallel_loop3A_199, %parallel_loop3A_195 : vector<16xf32>
          %parallel_loop3A_201 = arith.constant 1 : i32
          %parallel_loop3A_202 = vector.broadcast %parallel_loop3A_201 : i32 to vector<16xi32>
          %parallel_loop3A_203 = arith.addi %parallel_loop3A_184, %parallel_loop3A_202 : vector<16xi32>
          %parallel_loop3A_204 = arith.constant 64 : i32
          %parallel_loop3A_205 = vector.broadcast %parallel_loop3A_204 : i32 to vector<16xi32>
          %parallel_loop3A_206 = arith.minsi %parallel_loop3A_203, %parallel_loop3A_205 : vector<16xi32>
          %parallel_loop3A_207 = tpu.vector_load_idx %arg7[%add3A_127, %parallel_loop3A_206] : memref<128x65xf32, #tpu.memory_space<vmem>>[vector<16xi32>, vector<16xi32>], vector<16xf32>,
          %parallel_loop3A_208 = arith.subf %parallel_loop3A_195, %parallel_loop3A_186 : vector<16xf32>
          %parallel_loop3A_209 = arith.subf %parallel_loop3A_199, %parallel_loop3A_186 : vector<16xf32>
          %parallel_loop3A_210 = arith.divf %parallel_loop3A_208, %parallel_loop3A_209 : vector<16xf32>
          %parallel_loop3A_211 = arith.constant 0.000000e+00 : f32
          %parallel_loop3A_212 = arith.constant 1.000000e+00 : f32
          %parallel_loop3A_213 = vector.broadcast %parallel_loop3A_211 : f32 to vector<16xf32>
          %parallel_loop3A_214 = arith.maximumf %parallel_loop3A_213, %parallel_loop3A_210 : vector<16xf32>
          %parallel_loop3A_215 = vector.broadcast %parallel_loop3A_212 : f32 to vector<16xf32>
          %parallel_loop3A_216 = arith.minimumf %parallel_loop3A_215, %parallel_loop3A_214 : vector<16xf32>
          %parallel_loop3A_217 = arith.subf %parallel_loop3A_207, %parallel_loop3A_187 : vector<16xf32>
          %parallel_loop3A_218 = arith.mulf %parallel_loop3A_216, %parallel_loop3A_217 : vector<16xf32>
          %parallel_loop3A_219 = arith.addf %parallel_loop3A_187, %parallel_loop3A_218 : vector<16xf32>
          %parallel_loop3A_220 = arith.constant dense<true> : vector<16xi1>
          %parallel_loop3A_221 = arith.xori %parallel_loop3A_200, %parallel_loop3A_220 : vector<16xi1>
          tpu.vector_store_idx %arg16[%add3A_6, %parallel_loop3A_185], %parallel_loop3A_219 masked %parallel_loop3A_221 : memref<32x132xf32, #tpu.memory_space<vmem>>[vector<16xi32>, vector<16xi32>], vector<16xf32>, vector<16xi1>
          %parallel_loop3A_222 = arith.extui %parallel_loop3A_200 : vector<16xi1> to vector<16xi32>
          %parallel_loop3A_223 = arith.addi %parallel_loop3A_184, %parallel_loop3A_222 : vector<16xi32>
          %parallel_loop3A_224 = arith.constant dense<true> : vector<16xi1>
          %parallel_loop3A_225 = arith.xori %parallel_loop3A_200, %parallel_loop3A_224 : vector<16xi1>
          %parallel_loop3A_226 = arith.extui %parallel_loop3A_225 : vector<16xi1> to vector<16xi32>
          %parallel_loop3A_227 = arith.addi %parallel_loop3A_185, %parallel_loop3A_226 : vector<16xi32>
          %parallel_loop3A_228 = arith.select %parallel_loop3A_200, %parallel_loop3A_199, %parallel_loop3A_186 : vector<16xi1>, vector<16xf32>
          %parallel_loop3A_229 = arith.select %parallel_loop3A_200, %parallel_loop3A_207, %parallel_loop3A_187 : vector<16xi1>, vector<16xf32>
          %parallel_loop3A_230 = arith.constant 0.000000e+00 : f32
          %parallel_loop3A_231 = arith.constant 1.000000e+00 : f32
          %parallel_loop3A_232 = vector.broadcast %parallel_loop3A_230 : f32 to vector<16xf32>
          %parallel_loop3A_233 = vector.broadcast %parallel_loop3A_231 : f32 to vector<16xf32>
          %parallel_loop3A_234 = arith.select %parallel_loop3A_200, %parallel_loop3A_232, %parallel_loop3A_233 : vector<16xi1>, vector<16xf32>
          %parallel_loop3A_235 = arith.addf %parallel_loop3A_188, %parallel_loop3A_234 : vector<16xf32>
          %parallel_loop3A_236 = arith.mulf %parallel_loop3A_193, %mul3A_154 : vector<16xf32>
          %parallel_loop3A_237 = arith.addf %parallel_loop3A_236, %mul3A_148 : vector<16xf32>
          %parallel_loop3A_238 = arith.constant 1 : i32
          %parallel_loop3A_239 = vector.broadcast %parallel_loop3A_238 : i32 to vector<16xi32>
          %parallel_loop3A_240 = arith.addi %parallel_loop3A_189, %parallel_loop3A_239 : vector<16xi32>
          %parallel_loop3A_241 = tpu.vector_load_idx %arg15[%add3A_9, %parallel_loop3A_240] : memref<32x66xf32, #tpu.memory_space<vmem>>[vector<16xi32>, vector<16xi32>], vector<16xf32>,
          %parallel_loop3A_242 = arith.cmpf ole, %parallel_loop3A_241, %parallel_loop3A_237 : vector<16xf32>
          %parallel_loop3A_243 = arith.constant 1 : i32
          %parallel_loop3A_244 = vector.broadcast %parallel_loop3A_243 : i32 to vector<16xi32>
          %parallel_loop3A_245 = arith.addi %parallel_loop3A_189, %parallel_loop3A_244 : vector<16xi32>
          %parallel_loop3A_246 = arith.constant 64 : i32
          %parallel_loop3A_247 = vector.broadcast %parallel_loop3A_246 : i32 to vector<16xi32>
          %parallel_loop3A_248 = arith.minsi %parallel_loop3A_245, %parallel_loop3A_247 : vector<16xi32>
          %parallel_loop3A_249 = tpu.vector_load_idx %arg7[%add3A_135, %parallel_loop3A_248] : memref<128x65xf32, #tpu.memory_space<vmem>>[vector<16xi32>, vector<16xi32>], vector<16xf32>,
          %parallel_loop3A_250 = arith.subf %parallel_loop3A_237, %parallel_loop3A_191 : vector<16xf32>
          %parallel_loop3A_251 = arith.subf %parallel_loop3A_241, %parallel_loop3A_191 : vector<16xf32>
          %parallel_loop3A_252 = arith.divf %parallel_loop3A_250, %parallel_loop3A_251 : vector<16xf32>
          %parallel_loop3A_253 = arith.constant 0.000000e+00 : f32
          %parallel_loop3A_254 = arith.constant 1.000000e+00 : f32
          %parallel_loop3A_255 = vector.broadcast %parallel_loop3A_253 : f32 to vector<16xf32>
          %parallel_loop3A_256 = arith.maximumf %parallel_loop3A_255, %parallel_loop3A_252 : vector<16xf32>
          %parallel_loop3A_257 = vector.broadcast %parallel_loop3A_254 : f32 to vector<16xf32>
          %parallel_loop3A_258 = arith.minimumf %parallel_loop3A_257, %parallel_loop3A_256 : vector<16xf32>
          %parallel_loop3A_259 = arith.subf %parallel_loop3A_249, %parallel_loop3A_192 : vector<16xf32>
          %parallel_loop3A_260 = arith.mulf %parallel_loop3A_258, %parallel_loop3A_259 : vector<16xf32>
          %parallel_loop3A_261 = arith.addf %parallel_loop3A_192, %parallel_loop3A_260 : vector<16xf32>
          %parallel_loop3A_262 = arith.constant dense<true> : vector<16xi1>
          %parallel_loop3A_263 = arith.xori %parallel_loop3A_242, %parallel_loop3A_262 : vector<16xi1>
          tpu.vector_store_idx %arg16[%add3A_9, %parallel_loop3A_190], %parallel_loop3A_261 masked %parallel_loop3A_263 : memref<32x132xf32, #tpu.memory_space<vmem>>[vector<16xi32>, vector<16xi32>], vector<16xf32>, vector<16xi1>
          %parallel_loop3A_264 = arith.extui %parallel_loop3A_242 : vector<16xi1> to vector<16xi32>
          %parallel_loop3A_265 = arith.addi %parallel_loop3A_189, %parallel_loop3A_264 : vector<16xi32>
          %parallel_loop3A_266 = arith.constant dense<true> : vector<16xi1>
          %parallel_loop3A_267 = arith.xori %parallel_loop3A_242, %parallel_loop3A_266 : vector<16xi1>
          %parallel_loop3A_268 = arith.extui %parallel_loop3A_267 : vector<16xi1> to vector<16xi32>
          %parallel_loop3A_269 = arith.addi %parallel_loop3A_190, %parallel_loop3A_268 : vector<16xi32>
          %parallel_loop3A_270 = arith.select %parallel_loop3A_242, %parallel_loop3A_241, %parallel_loop3A_191 : vector<16xi1>, vector<16xf32>
          %parallel_loop3A_271 = arith.select %parallel_loop3A_242, %parallel_loop3A_249, %parallel_loop3A_192 : vector<16xi1>, vector<16xf32>
          %parallel_loop3A_272 = arith.constant 0.000000e+00 : f32
          %parallel_loop3A_273 = arith.constant 1.000000e+00 : f32
          %parallel_loop3A_274 = vector.broadcast %parallel_loop3A_272 : f32 to vector<16xf32>
          %parallel_loop3A_275 = vector.broadcast %parallel_loop3A_273 : f32 to vector<16xf32>
          %parallel_loop3A_276 = arith.select %parallel_loop3A_242, %parallel_loop3A_274, %parallel_loop3A_275 : vector<16xi1>, vector<16xf32>
          %parallel_loop3A_277 = arith.addf %parallel_loop3A_193, %parallel_loop3A_276 : vector<16xf32>
          scf.yield %parallel_loop3A_223, %parallel_loop3A_227, %parallel_loop3A_228, %parallel_loop3A_229, %parallel_loop3A_235, %parallel_loop3A_265, %parallel_loop3A_269, %parallel_loop3A_270, %parallel_loop3A_271, %parallel_loop3A_277 : vector<16xi32>, vector<16xi32>, vector<16xf32>, vector<16xf32>, vector<16xf32>, vector<16xi32>, vector<16xi32>, vector<16xf32>, vector<16xf32>, vector<16xf32>
        } {sc.loop_unroll_factor = 1 : i64, sc.parallel_access}
        %gather3A_160 = tpu.vector_load_idx %arg9[%add3A_127] : memref<128xf32, #tpu.memory_space<vmem>>[vector<16xi32>], vector<16xf32>,
        %gather3A_161 = tpu.vector_load_idx %arg9[%add3A_135] : memref<128xf32, #tpu.memory_space<vmem>>[vector<16xi32>], vector<16xf32>,
        %gather3A_162 = tpu.vector_load_idx %arg10[%add3A_127] : memref<128xf32, #tpu.memory_space<vmem>>[vector<16xi32>], vector<16xf32>,
        %sub3A = arith.subf %gather3A_162, %gather3A_160 : vector<16xf32>
        %gather3A_163 = tpu.vector_load_idx %arg10[%add3A_135] : memref<128xf32, #tpu.memory_space<vmem>>[vector<16xi32>], vector<16xf32>,
        %sub3A_164 = arith.subf %gather3A_163, %gather3A_161 : vector<16xf32>
        %broadcast_in_dim3A_165 = arith.constant 64 : i32
        %broadcast_in_dim3A_166 = vector.broadcast %broadcast_in_dim3A_165 : i32 to vector<16xi32>
        %broadcast_in_dim3A_167 = arith.constant 128 : i32
        %broadcast_in_dim3A_168 = vector.broadcast %broadcast_in_dim3A_167 : i32 to vector<16xi32>
        %gather3A_169 = tpu.vector_load_idx %arg7[%add3A_127, %broadcast_in_dim3A_166] : memref<128x65xf32, #tpu.memory_space<vmem>>[vector<16xi32>, vector<16xi32>], vector<16xf32>,
        %gather3A_170 = tpu.vector_load_idx %arg16[%add3A_6, %broadcast_in_dim3A_166] : memref<32x132xf32, #tpu.memory_space<vmem>>[vector<16xi32>, vector<16xi32>], vector<16xf32>,
        %max3A = arith.maximumf %gather3A_169, %gather3A_170 : vector<16xf32>
        %mul3A_171 = arith.mulf %max3A, %sub3A : vector<16xf32>
        %add3A_172 = arith.addf %gather3A_160, %mul3A_171 : vector<16xf32>
        tpu.vector_store_idx %arg17[%add3A_127, %broadcast_in_dim3A_168], %add3A_172 : memref<128x129xf32, #tpu.memory_space<vmem>>[vector<16xi32>, vector<16xi32>], vector<16xf32>,
        tpu.vector_store_idx %arg16[%add3A_6, %broadcast_in_dim3A_166], %broadcast_in_dim3A_142 : memref<32x132xf32, #tpu.memory_space<vmem>>[vector<16xi32>, vector<16xi32>], vector<16xf32>,
        %gather3A_173 = tpu.vector_load_idx %arg7[%add3A_135, %broadcast_in_dim3A_166] : memref<128x65xf32, #tpu.memory_space<vmem>>[vector<16xi32>, vector<16xi32>], vector<16xf32>,
        %gather3A_174 = tpu.vector_load_idx %arg16[%add3A_9, %broadcast_in_dim3A_166] : memref<32x132xf32, #tpu.memory_space<vmem>>[vector<16xi32>, vector<16xi32>], vector<16xf32>,
        %max3A_175 = arith.maximumf %gather3A_173, %gather3A_174 : vector<16xf32>
        %mul3A_176 = arith.mulf %max3A_175, %sub3A_164 : vector<16xf32>
        %add3A_177 = arith.addf %gather3A_161, %mul3A_176 : vector<16xf32>
        tpu.vector_store_idx %arg17[%add3A_135, %broadcast_in_dim3A_168], %add3A_177 : memref<128x129xf32, #tpu.memory_space<vmem>>[vector<16xi32>, vector<16xi32>], vector<16xf32>,
        tpu.vector_store_idx %arg16[%add3A_9, %broadcast_in_dim3A_166], %broadcast_in_dim3A_142 : memref<32x132xf32, #tpu.memory_space<vmem>>[vector<16xi32>, vector<16xi32>], vector<16xf32>,
        %parallel_loop3A_178 = arith.constant 0 : i32
        %parallel_loop3A_179 = arith.constant 128 : i32
        %parallel_loop3A_180 = arith.constant 1 : i32
        %parallel_loop3A_181:4 = scf.for %parallel_loop3A_183 = %parallel_loop3A_178 to %parallel_loop3A_179 step %parallel_loop3A_180 iter_args(%parallel_loop3A_184 = %broadcast_in_dim3A_3, %parallel_loop3A_185 = %broadcast_in_dim3A_3, %parallel_loop3A_186 = %broadcast_in_dim3A_3, %parallel_loop3A_187 = %broadcast_in_dim3A_3) -> (vector<16xi32>, vector<16xi32>, vector<16xi32>, vector<16xi32>)  : i32 {
          %parallel_loop3A_188 = vector.broadcast %parallel_loop3A_183 : i32 to vector<16xi32>
          %parallel_loop3A_189 = tpu.vector_load_idx %arg7[%add3A_127, %parallel_loop3A_184] : memref<128x65xf32, #tpu.memory_space<vmem>>[vector<16xi32>, vector<16xi32>], vector<16xf32>,
          %parallel_loop3A_190 = tpu.vector_load_idx %arg16[%add3A_6, %parallel_loop3A_185] : memref<32x132xf32, #tpu.memory_space<vmem>>[vector<16xi32>, vector<16xi32>], vector<16xf32>,
          %parallel_loop3A_191 = arith.cmpf olt, %parallel_loop3A_189, %parallel_loop3A_190 : vector<16xf32>
          %parallel_loop3A_192 = arith.minimumf %parallel_loop3A_189, %parallel_loop3A_190 : vector<16xf32>
          %parallel_loop3A_193 = arith.mulf %parallel_loop3A_192, %sub3A : vector<16xf32>
          %parallel_loop3A_194 = arith.addf %gather3A_160, %parallel_loop3A_193 : vector<16xf32>
          tpu.vector_store_idx %arg17[%add3A_127, %parallel_loop3A_188], %parallel_loop3A_194 : memref<128x129xf32, #tpu.memory_space<vmem>>[vector<16xi32>, vector<16xi32>], vector<16xf32>,
          %parallel_loop3A_195 = arith.extui %parallel_loop3A_191 : vector<16xi1> to vector<16xi32>
          %parallel_loop3A_196 = arith.addi %parallel_loop3A_184, %parallel_loop3A_195 : vector<16xi32>
          %parallel_loop3A_197 = arith.constant dense<true> : vector<16xi1>
          %parallel_loop3A_198 = arith.xori %parallel_loop3A_191, %parallel_loop3A_197 : vector<16xi1>
          %parallel_loop3A_199 = arith.extui %parallel_loop3A_198 : vector<16xi1> to vector<16xi32>
          %parallel_loop3A_200 = arith.addi %parallel_loop3A_185, %parallel_loop3A_199 : vector<16xi32>
          %parallel_loop3A_201 = tpu.vector_load_idx %arg7[%add3A_135, %parallel_loop3A_186] : memref<128x65xf32, #tpu.memory_space<vmem>>[vector<16xi32>, vector<16xi32>], vector<16xf32>,
          %parallel_loop3A_202 = tpu.vector_load_idx %arg16[%add3A_9, %parallel_loop3A_187] : memref<32x132xf32, #tpu.memory_space<vmem>>[vector<16xi32>, vector<16xi32>], vector<16xf32>,
          %parallel_loop3A_203 = arith.cmpf olt, %parallel_loop3A_201, %parallel_loop3A_202 : vector<16xf32>
          %parallel_loop3A_204 = arith.minimumf %parallel_loop3A_201, %parallel_loop3A_202 : vector<16xf32>
          %parallel_loop3A_205 = arith.mulf %parallel_loop3A_204, %sub3A_164 : vector<16xf32>
          %parallel_loop3A_206 = arith.addf %gather3A_161, %parallel_loop3A_205 : vector<16xf32>
          tpu.vector_store_idx %arg17[%add3A_135, %parallel_loop3A_188], %parallel_loop3A_206 : memref<128x129xf32, #tpu.memory_space<vmem>>[vector<16xi32>, vector<16xi32>], vector<16xf32>,
          %parallel_loop3A_207 = arith.extui %parallel_loop3A_203 : vector<16xi1> to vector<16xi32>
          %parallel_loop3A_208 = arith.addi %parallel_loop3A_186, %parallel_loop3A_207 : vector<16xi32>
          %parallel_loop3A_209 = arith.constant dense<true> : vector<16xi1>
          %parallel_loop3A_210 = arith.xori %parallel_loop3A_203, %parallel_loop3A_209 : vector<16xi1>
          %parallel_loop3A_211 = arith.extui %parallel_loop3A_210 : vector<16xi1> to vector<16xi32>
          %parallel_loop3A_212 = arith.addi %parallel_loop3A_187, %parallel_loop3A_211 : vector<16xi32>
          scf.yield %parallel_loop3A_196, %parallel_loop3A_200, %parallel_loop3A_208, %parallel_loop3A_212 : vector<16xi32>, vector<16xi32>, vector<16xi32>, vector<16xi32>
        } {sc.loop_unroll_factor = 4 : i64, sc.parallel_access}
        %scan3A_182 = arith.constant 0 : i32
        scf.yield %scan3A_182 : i32
      }
      %scan3A_81 = arith.constant 4 : i32
      "tpu.region"() ({
        %run_scoped3A = tpu.sem_alloc : memref<!tpu.dma_semaphore, #tpu.memory_space<semaphore_mem>>
        %dma_start3A_118 = arith.constant 0 : i32
        %dma_start3A_119 = tpu.memref_slice %arg6[%add3A_74, %dma_start3A_118] : memref<65536x129xf32, #tpu.memory_space<hbm>> -> memref<128x129xf32, #tpu.memory_space<hbm>>
        %dma_start3A_120 = arith.constant 0 : i32
        %dma_start3A_121 = tpu.memref_slice %arg6[%add3A_74, %dma_start3A_120] : memref<65536x129xf32, #tpu.memory_space<hbm>> -> memref<128x129xf32, #tpu.memory_space<hbm>>
        tpu.enqueue_dma source(%arg17 : memref<128x129xf32, #tpu.memory_space<vmem>>) target(%dma_start3A_121 : memref<128x129xf32, #tpu.memory_space<hbm>>) target_semaphore(%run_scoped3A : memref<!tpu.dma_semaphore, #tpu.memory_space<semaphore_mem>>)
        %dma_wait3A_122 = arith.constant 0 : i32
        %dma_wait3A_123 = tpu.memref_slice %arg6[%add3A_74, %dma_wait3A_122] : memref<65536x129xf32, #tpu.memory_space<hbm>> -> memref<128x129xf32, #tpu.memory_space<hbm>>
        %dma_wait3A_124 = arith.constant 0 : i32
        %dma_wait3A_125 = tpu.memref_slice %arg6[%add3A_74, %dma_wait3A_124] : memref<65536x129xf32, #tpu.memory_space<hbm>> -> memref<128x129xf32, #tpu.memory_space<hbm>>
        tpu.wait_dma2 semaphore(%run_scoped3A : memref<!tpu.dma_semaphore, #tpu.memory_space<semaphore_mem>>) src(%arg17 : memref<128x129xf32, #tpu.memory_space<vmem>>) dst(%dma_wait3A_125 : memref<128x129xf32, #tpu.memory_space<hbm>>)
        tpu.yield
      }) : () -> ()
      %add3A_82 = arith.constant 1 : i32
      %add3A_83 = arith.addi %mul3A_34, %add3A_82 : i32
      %mul3A_84 = arith.constant 2048 : i32
      %mul3A_85 = arith.muli %add3A, %mul3A_84 : i32
      %mul3A_86 = arith.constant 128 : i32
      %mul3A_87 = arith.muli %add3A_83, %mul3A_86 : i32
      %add3A_88 = arith.addi %mul3A_85, %mul3A_87 : i32
      %dma_wait3A_89 = arith.constant 0 : i32
      %dma_wait3A_90 = tpu.memref_slice %arg2[%add3A_88, %dma_wait3A_89] : memref<65536x65xf32, #tpu.memory_space<hbm>> -> memref<128x65xf32, #tpu.memory_space<hbm>>
      %dma_wait3A_91 = arith.constant 0 : i32
      %dma_wait3A_92 = tpu.memref_slice %arg2[%add3A_88, %dma_wait3A_91] : memref<65536x65xf32, #tpu.memory_space<hbm>> -> memref<128x65xf32, #tpu.memory_space<hbm>>
      tpu.wait_dma2 semaphore(%arg19 : memref<!tpu.dma_semaphore, #tpu.memory_space<semaphore_mem>>) src(%dma_wait3A_92 : memref<128x65xf32, #tpu.memory_space<hbm>>) dst(%arg11 : memref<128x65xf32, #tpu.memory_space<vmem>>)
      %dma_wait3A_93 = arith.constant 0 : i32
      %dma_wait3A_94 = tpu.memref_slice %arg3[%add3A_88, %dma_wait3A_93] : memref<65536x64xf32, #tpu.memory_space<hbm>> -> memref<128x64xf32, #tpu.memory_space<hbm>>
      %dma_wait3A_95 = arith.constant 0 : i32
      %dma_wait3A_96 = tpu.memref_slice %arg3[%add3A_88, %dma_wait3A_95] : memref<65536x64xf32, #tpu.memory_space<hbm>> -> memref<128x64xf32, #tpu.memory_space<hbm>>
      tpu.wait_dma2 semaphore(%arg19 : memref<!tpu.dma_semaphore, #tpu.memory_space<semaphore_mem>>) src(%dma_wait3A_96 : memref<128x64xf32, #tpu.memory_space<hbm>>) dst(%arg12 : memref<128x64xf32, #tpu.memory_space<vmem>>)
      %dma_wait3A_97 = tpu.memref_slice %arg4[%add3A_88] : memref<65536xf32, #tpu.memory_space<hbm>> -> memref<128xf32, #tpu.memory_space<hbm>>
      %dma_wait3A_98 = tpu.memref_slice %arg4[%add3A_88] : memref<65536xf32, #tpu.memory_space<hbm>> -> memref<128xf32, #tpu.memory_space<hbm>>
      tpu.wait_dma2 semaphore(%arg19 : memref<!tpu.dma_semaphore, #tpu.memory_space<semaphore_mem>>) src(%dma_wait3A_98 : memref<128xf32, #tpu.memory_space<hbm>>) dst(%arg13 : memref<128xf32, #tpu.memory_space<vmem>>)
      %dma_wait3A_99 = tpu.memref_slice %arg5[%add3A_88] : memref<65536xf32, #tpu.memory_space<hbm>> -> memref<128xf32, #tpu.memory_space<hbm>>
      %dma_wait3A_100 = tpu.memref_slice %arg5[%add3A_88] : memref<65536xf32, #tpu.memory_space<hbm>> -> memref<128xf32, #tpu.memory_space<hbm>>
      tpu.wait_dma2 semaphore(%arg19 : memref<!tpu.dma_semaphore, #tpu.memory_space<semaphore_mem>>) src(%dma_wait3A_100 : memref<128xf32, #tpu.memory_space<hbm>>) dst(%arg14 : memref<128xf32, #tpu.memory_space<vmem>>)
      %lt3A = arith.constant 7 : i32
      %lt3A_101 = arith.cmpi slt, %scan3A_31, %lt3A : i32
      %convert_element_type3A = arith.extui %lt3A_101 : i1 to i32
      %cond3A = arith.constant 0 : i32
      %cond3A_102 = arith.cmpi ne, %convert_element_type3A, %cond3A : i32
      scf.if %cond3A_102 {
        %add3A_118 = arith.constant 2 : i32
        %add3A_119 = arith.addi %mul3A_34, %add3A_118 : i32
        %mul3A_120 = arith.constant 2048 : i32
        %mul3A_121 = arith.muli %add3A, %mul3A_120 : i32
        %mul3A_122 = arith.constant 128 : i32
        %mul3A_123 = arith.muli %add3A_119, %mul3A_122 : i32
        %add3A_124 = arith.addi %mul3A_121, %mul3A_123 : i32
        %dma_start3A_125 = arith.constant 0 : i32
        %dma_start3A_126 = tpu.memref_slice %arg2[%add3A_124, %dma_start3A_125] : memref<65536x65xf32, #tpu.memory_space<hbm>> -> memref<128x65xf32, #tpu.memory_space<hbm>>
        %dma_start3A_127 = arith.constant 0 : i32
        %dma_start3A_128 = tpu.memref_slice %arg2[%add3A_124, %dma_start3A_127] : memref<65536x65xf32, #tpu.memory_space<hbm>> -> memref<128x65xf32, #tpu.memory_space<hbm>>
        tpu.enqueue_dma source(%dma_start3A_128 : memref<128x65xf32, #tpu.memory_space<hbm>>) target(%arg7 : memref<128x65xf32, #tpu.memory_space<vmem>>) target_semaphore(%arg18 : memref<!tpu.dma_semaphore, #tpu.memory_space<semaphore_mem>>)
        %dma_start3A_129 = arith.constant 0 : i32
        %dma_start3A_130 = tpu.memref_slice %arg3[%add3A_124, %dma_start3A_129] : memref<65536x64xf32, #tpu.memory_space<hbm>> -> memref<128x64xf32, #tpu.memory_space<hbm>>
        %dma_start3A_131 = arith.constant 0 : i32
        %dma_start3A_132 = tpu.memref_slice %arg3[%add3A_124, %dma_start3A_131] : memref<65536x64xf32, #tpu.memory_space<hbm>> -> memref<128x64xf32, #tpu.memory_space<hbm>>
        tpu.enqueue_dma source(%dma_start3A_132 : memref<128x64xf32, #tpu.memory_space<hbm>>) target(%arg8 : memref<128x64xf32, #tpu.memory_space<vmem>>) target_semaphore(%arg18 : memref<!tpu.dma_semaphore, #tpu.memory_space<semaphore_mem>>)
        %dma_start3A_133 = tpu.memref_slice %arg4[%add3A_124] : memref<65536xf32, #tpu.memory_space<hbm>> -> memref<128xf32, #tpu.memory_space<hbm>>
        %dma_start3A_134 = tpu.memref_slice %arg4[%add3A_124] : memref<65536xf32, #tpu.memory_space<hbm>> -> memref<128xf32, #tpu.memory_space<hbm>>
        tpu.enqueue_dma source(%dma_start3A_134 : memref<128xf32, #tpu.memory_space<hbm>>) target(%arg9 : memref<128xf32, #tpu.memory_space<vmem>>) target_semaphore(%arg18 : memref<!tpu.dma_semaphore, #tpu.memory_space<semaphore_mem>>)
        %dma_start3A_135 = tpu.memref_slice %arg5[%add3A_124] : memref<65536xf32, #tpu.memory_space<hbm>> -> memref<128xf32, #tpu.memory_space<hbm>>
        %dma_start3A_136 = tpu.memref_slice %arg5[%add3A_124] : memref<65536xf32, #tpu.memory_space<hbm>> -> memref<128xf32, #tpu.memory_space<hbm>>
        tpu.enqueue_dma source(%dma_start3A_136 : memref<128xf32, #tpu.memory_space<hbm>>) target(%arg10 : memref<128xf32, #tpu.memory_space<vmem>>) target_semaphore(%arg18 : memref<!tpu.dma_semaphore, #tpu.memory_space<semaphore_mem>>)
      } else {
      }
      %add3A_103 = arith.constant 1 : i32
      %add3A_104 = arith.addi %mul3A_34, %add3A_103 : i32
      %mul3A_105 = arith.constant 2048 : i32
      %mul3A_106 = arith.muli %add3A, %mul3A_105 : i32
      %mul3A_107 = arith.constant 128 : i32
      %mul3A_108 = arith.muli %add3A_104, %mul3A_107 : i32
      %add3A_109 = arith.addi %mul3A_106, %mul3A_108 : i32
      %scan3A_110 = arith.constant 0 : i32
      %scan3A_111 = arith.constant 0 : i32
      %scan3A_112 = arith.constant 4 : i32
      %scan3A_113 = arith.addi %scan3A_111, %scan3A_112 : i32
      %scan3A_114 = arith.constant 1 : i32
      %scan3A_115 = scf.for %scan3A_118 = %scan3A_111 to %scan3A_113 step %scan3A_114 iter_args(%scan3A_119 = %scan3A_110) -> (i32)  : i32 {
        %mul3A_120 = arith.constant 2 : i32
        %mul3A_121 = arith.muli %scan3A_118, %mul3A_120 : i32
        %add3A_122 = arith.constant 0 : i32
        %add3A_123 = arith.addi %mul3A_121, %add3A_122 : i32
        %mul3A_124 = arith.constant 16 : i32
        %mul3A_125 = arith.muli %add3A_123, %mul3A_124 : i32
        %add3A_126 = vector.broadcast %mul3A_125 : i32 to vector<16xi32>
        %add3A_127 = arith.addi %iota3A, %add3A_126 : vector<16xi32>
        %mul3A_128 = arith.constant 2 : i32
        %mul3A_129 = arith.muli %scan3A_118, %mul3A_128 : i32
        %add3A_130 = arith.constant 1 : i32
        %add3A_131 = arith.addi %mul3A_129, %add3A_130 : i32
        %mul3A_132 = arith.constant 16 : i32
        %mul3A_133 = arith.muli %add3A_131, %mul3A_132 : i32
        %add3A_134 = vector.broadcast %mul3A_133 : i32 to vector<16xi32>
        %add3A_135 = arith.addi %iota3A, %add3A_134 : vector<16xi32>
        %parallel_loop3A = arith.constant 0 : i32
        %parallel_loop3A_136 = arith.constant 64 : i32
        %parallel_loop3A_137 = arith.constant 1 : i32
        %parallel_loop3A_138:2 = scf.for %parallel_loop3A_183 = %parallel_loop3A to %parallel_loop3A_136 step %parallel_loop3A_137 iter_args(%parallel_loop3A_184 = %broadcast_in_dim3A_1, %parallel_loop3A_185 = %broadcast_in_dim3A_1) -> (vector<16xf32>, vector<16xf32>)  : i32 {
          %parallel_loop3A_186 = vector.broadcast %parallel_loop3A_183 : i32 to vector<16xi32>
          %parallel_loop3A_187 = tpu.vector_load_idx %arg12[%add3A_127, %parallel_loop3A_186] : memref<128x64xf32, #tpu.memory_space<vmem>>[vector<16xi32>, vector<16xi32>], vector<16xf32>,
          %parallel_loop3A_188 = arith.constant 0.00999999977 : f32
          %parallel_loop3A_189 = vector.broadcast %parallel_loop3A_188 : f32 to vector<16xf32>
          %parallel_loop3A_190 = arith.addf %parallel_loop3A_187, %parallel_loop3A_189 : vector<16xf32>
          %parallel_loop3A_191 = arith.addf %parallel_loop3A_184, %parallel_loop3A_190 : vector<16xf32>
          %parallel_loop3A_192 = arith.constant 1 : i32
          %parallel_loop3A_193 = vector.broadcast %parallel_loop3A_192 : i32 to vector<16xi32>
          %parallel_loop3A_194 = arith.addi %parallel_loop3A_186, %parallel_loop3A_193 : vector<16xi32>
          tpu.vector_store_idx %arg15[%add3A_6, %parallel_loop3A_194], %parallel_loop3A_191 : memref<32x66xf32, #tpu.memory_space<vmem>>[vector<16xi32>, vector<16xi32>], vector<16xf32>,
          %parallel_loop3A_195 = tpu.vector_load_idx %arg12[%add3A_135, %parallel_loop3A_186] : memref<128x64xf32, #tpu.memory_space<vmem>>[vector<16xi32>, vector<16xi32>], vector<16xf32>,
          %parallel_loop3A_196 = arith.constant 0.00999999977 : f32
          %parallel_loop3A_197 = vector.broadcast %parallel_loop3A_196 : f32 to vector<16xf32>
          %parallel_loop3A_198 = arith.addf %parallel_loop3A_195, %parallel_loop3A_197 : vector<16xf32>
          %parallel_loop3A_199 = arith.addf %parallel_loop3A_185, %parallel_loop3A_198 : vector<16xf32>
          %parallel_loop3A_200 = arith.constant 1 : i32
          %parallel_loop3A_201 = vector.broadcast %parallel_loop3A_200 : i32 to vector<16xi32>
          %parallel_loop3A_202 = arith.addi %parallel_loop3A_186, %parallel_loop3A_201 : vector<16xi32>
          tpu.vector_store_idx %arg15[%add3A_9, %parallel_loop3A_202], %parallel_loop3A_199 : memref<32x66xf32, #tpu.memory_space<vmem>>[vector<16xi32>, vector<16xi32>], vector<16xf32>,
          scf.yield %parallel_loop3A_191, %parallel_loop3A_199 : vector<16xf32>, vector<16xf32>
        } {sc.loop_unroll_factor = 8 : i64, sc.parallel_access}
        %broadcast_in_dim3A_139 = arith.constant 65 : i32
        %broadcast_in_dim3A_140 = vector.broadcast %broadcast_in_dim3A_139 : i32 to vector<16xi32>
        %broadcast_in_dim3A_141 = arith.constant 0x7F800000 : f32
        %broadcast_in_dim3A_142 = vector.broadcast %broadcast_in_dim3A_141 : f32 to vector<16xf32>
        tpu.vector_store_idx %arg15[%add3A_6, %broadcast_in_dim3A_140], %broadcast_in_dim3A_142 : memref<32x66xf32, #tpu.memory_space<vmem>>[vector<16xi32>, vector<16xi32>], vector<16xf32>,
        tpu.vector_store_idx %arg15[%add3A_9, %broadcast_in_dim3A_140], %broadcast_in_dim3A_142 : memref<32x66xf32, #tpu.memory_space<vmem>>[vector<16xi32>, vector<16xi32>], vector<16xf32>,
        %broadcast_in_dim3A_143 = arith.constant 0.0076923077 : f32
        %broadcast_in_dim3A_144 = vector.broadcast %broadcast_in_dim3A_143 : f32 to vector<16xf32>
        %mul3A_145 = arith.mulf %broadcast_in_dim3A_144, %parallel_loop3A_138#0 : vector<16xf32>
        %broadcast_in_dim3A_146 = arith.constant 0.0076923077 : f32
        %broadcast_in_dim3A_147 = vector.broadcast %broadcast_in_dim3A_146 : f32 to vector<16xf32>
        %mul3A_148 = arith.mulf %broadcast_in_dim3A_147, %parallel_loop3A_138#1 : vector<16xf32>
        %broadcast_in_dim3A_149 = arith.constant 0.0153846154 : f32
        %broadcast_in_dim3A_150 = vector.broadcast %broadcast_in_dim3A_149 : f32 to vector<16xf32>
        %mul3A_151 = arith.mulf %broadcast_in_dim3A_150, %parallel_loop3A_138#0 : vector<16xf32>
        %broadcast_in_dim3A_152 = arith.constant 0.0153846154 : f32
        %broadcast_in_dim3A_153 = vector.broadcast %broadcast_in_dim3A_152 : f32 to vector<16xf32>
        %mul3A_154 = arith.mulf %broadcast_in_dim3A_153, %parallel_loop3A_138#1 : vector<16xf32>
        %gather3A = tpu.vector_load_idx %arg11[%add3A_127, %broadcast_in_dim3A_3] : memref<128x65xf32, #tpu.memory_space<vmem>>[vector<16xi32>, vector<16xi32>], vector<16xf32>,
        %gather3A_155 = tpu.vector_load_idx %arg11[%add3A_135, %broadcast_in_dim3A_3] : memref<128x65xf32, #tpu.memory_space<vmem>>[vector<16xi32>, vector<16xi32>], vector<16xf32>,
        %parallel_loop3A_156 = arith.constant 0 : i32
        %parallel_loop3A_157 = arith.constant 130 : i32
        %parallel_loop3A_158 = arith.constant 1 : i32
        %parallel_loop3A_159:10 = scf.for %parallel_loop3A_183 = %parallel_loop3A_156 to %parallel_loop3A_157 step %parallel_loop3A_158 iter_args(%parallel_loop3A_184 = %broadcast_in_dim3A_3, %parallel_loop3A_185 = %broadcast_in_dim3A_3, %parallel_loop3A_186 = %broadcast_in_dim3A_1, %parallel_loop3A_187 = %gather3A, %parallel_loop3A_188 = %broadcast_in_dim3A_1, %parallel_loop3A_189 = %broadcast_in_dim3A_3, %parallel_loop3A_190 = %broadcast_in_dim3A_3, %parallel_loop3A_191 = %broadcast_in_dim3A_1, %parallel_loop3A_192 = %gather3A_155, %parallel_loop3A_193 = %broadcast_in_dim3A_1) -> (vector<16xi32>, vector<16xi32>, vector<16xf32>, vector<16xf32>, vector<16xf32>, vector<16xi32>, vector<16xi32>, vector<16xf32>, vector<16xf32>, vector<16xf32>)  : i32 {
          %parallel_loop3A_194 = arith.mulf %parallel_loop3A_188, %mul3A_151 : vector<16xf32>
          %parallel_loop3A_195 = arith.addf %parallel_loop3A_194, %mul3A_145 : vector<16xf32>
          %parallel_loop3A_196 = arith.constant 1 : i32
          %parallel_loop3A_197 = vector.broadcast %parallel_loop3A_196 : i32 to vector<16xi32>
          %parallel_loop3A_198 = arith.addi %parallel_loop3A_184, %parallel_loop3A_197 : vector<16xi32>
          %parallel_loop3A_199 = tpu.vector_load_idx %arg15[%add3A_6, %parallel_loop3A_198] : memref<32x66xf32, #tpu.memory_space<vmem>>[vector<16xi32>, vector<16xi32>], vector<16xf32>,
          %parallel_loop3A_200 = arith.cmpf ole, %parallel_loop3A_199, %parallel_loop3A_195 : vector<16xf32>
          %parallel_loop3A_201 = arith.constant 1 : i32
          %parallel_loop3A_202 = vector.broadcast %parallel_loop3A_201 : i32 to vector<16xi32>
          %parallel_loop3A_203 = arith.addi %parallel_loop3A_184, %parallel_loop3A_202 : vector<16xi32>
          %parallel_loop3A_204 = arith.constant 64 : i32
          %parallel_loop3A_205 = vector.broadcast %parallel_loop3A_204 : i32 to vector<16xi32>
          %parallel_loop3A_206 = arith.minsi %parallel_loop3A_203, %parallel_loop3A_205 : vector<16xi32>
          %parallel_loop3A_207 = tpu.vector_load_idx %arg11[%add3A_127, %parallel_loop3A_206] : memref<128x65xf32, #tpu.memory_space<vmem>>[vector<16xi32>, vector<16xi32>], vector<16xf32>,
          %parallel_loop3A_208 = arith.subf %parallel_loop3A_195, %parallel_loop3A_186 : vector<16xf32>
          %parallel_loop3A_209 = arith.subf %parallel_loop3A_199, %parallel_loop3A_186 : vector<16xf32>
          %parallel_loop3A_210 = arith.divf %parallel_loop3A_208, %parallel_loop3A_209 : vector<16xf32>
          %parallel_loop3A_211 = arith.constant 0.000000e+00 : f32
          %parallel_loop3A_212 = arith.constant 1.000000e+00 : f32
          %parallel_loop3A_213 = vector.broadcast %parallel_loop3A_211 : f32 to vector<16xf32>
          %parallel_loop3A_214 = arith.maximumf %parallel_loop3A_213, %parallel_loop3A_210 : vector<16xf32>
          %parallel_loop3A_215 = vector.broadcast %parallel_loop3A_212 : f32 to vector<16xf32>
          %parallel_loop3A_216 = arith.minimumf %parallel_loop3A_215, %parallel_loop3A_214 : vector<16xf32>
          %parallel_loop3A_217 = arith.subf %parallel_loop3A_207, %parallel_loop3A_187 : vector<16xf32>
          %parallel_loop3A_218 = arith.mulf %parallel_loop3A_216, %parallel_loop3A_217 : vector<16xf32>
          %parallel_loop3A_219 = arith.addf %parallel_loop3A_187, %parallel_loop3A_218 : vector<16xf32>
          %parallel_loop3A_220 = arith.constant dense<true> : vector<16xi1>
          %parallel_loop3A_221 = arith.xori %parallel_loop3A_200, %parallel_loop3A_220 : vector<16xi1>
          tpu.vector_store_idx %arg16[%add3A_6, %parallel_loop3A_185], %parallel_loop3A_219 masked %parallel_loop3A_221 : memref<32x132xf32, #tpu.memory_space<vmem>>[vector<16xi32>, vector<16xi32>], vector<16xf32>, vector<16xi1>
          %parallel_loop3A_222 = arith.extui %parallel_loop3A_200 : vector<16xi1> to vector<16xi32>
          %parallel_loop3A_223 = arith.addi %parallel_loop3A_184, %parallel_loop3A_222 : vector<16xi32>
          %parallel_loop3A_224 = arith.constant dense<true> : vector<16xi1>
          %parallel_loop3A_225 = arith.xori %parallel_loop3A_200, %parallel_loop3A_224 : vector<16xi1>
          %parallel_loop3A_226 = arith.extui %parallel_loop3A_225 : vector<16xi1> to vector<16xi32>
          %parallel_loop3A_227 = arith.addi %parallel_loop3A_185, %parallel_loop3A_226 : vector<16xi32>
          %parallel_loop3A_228 = arith.select %parallel_loop3A_200, %parallel_loop3A_199, %parallel_loop3A_186 : vector<16xi1>, vector<16xf32>
          %parallel_loop3A_229 = arith.select %parallel_loop3A_200, %parallel_loop3A_207, %parallel_loop3A_187 : vector<16xi1>, vector<16xf32>
          %parallel_loop3A_230 = arith.constant 0.000000e+00 : f32
          %parallel_loop3A_231 = arith.constant 1.000000e+00 : f32
          %parallel_loop3A_232 = vector.broadcast %parallel_loop3A_230 : f32 to vector<16xf32>
          %parallel_loop3A_233 = vector.broadcast %parallel_loop3A_231 : f32 to vector<16xf32>
          %parallel_loop3A_234 = arith.select %parallel_loop3A_200, %parallel_loop3A_232, %parallel_loop3A_233 : vector<16xi1>, vector<16xf32>
          %parallel_loop3A_235 = arith.addf %parallel_loop3A_188, %parallel_loop3A_234 : vector<16xf32>
          %parallel_loop3A_236 = arith.mulf %parallel_loop3A_193, %mul3A_154 : vector<16xf32>
          %parallel_loop3A_237 = arith.addf %parallel_loop3A_236, %mul3A_148 : vector<16xf32>
          %parallel_loop3A_238 = arith.constant 1 : i32
          %parallel_loop3A_239 = vector.broadcast %parallel_loop3A_238 : i32 to vector<16xi32>
          %parallel_loop3A_240 = arith.addi %parallel_loop3A_189, %parallel_loop3A_239 : vector<16xi32>
          %parallel_loop3A_241 = tpu.vector_load_idx %arg15[%add3A_9, %parallel_loop3A_240] : memref<32x66xf32, #tpu.memory_space<vmem>>[vector<16xi32>, vector<16xi32>], vector<16xf32>,
          %parallel_loop3A_242 = arith.cmpf ole, %parallel_loop3A_241, %parallel_loop3A_237 : vector<16xf32>
          %parallel_loop3A_243 = arith.constant 1 : i32
          %parallel_loop3A_244 = vector.broadcast %parallel_loop3A_243 : i32 to vector<16xi32>
          %parallel_loop3A_245 = arith.addi %parallel_loop3A_189, %parallel_loop3A_244 : vector<16xi32>
          %parallel_loop3A_246 = arith.constant 64 : i32
          %parallel_loop3A_247 = vector.broadcast %parallel_loop3A_246 : i32 to vector<16xi32>
          %parallel_loop3A_248 = arith.minsi %parallel_loop3A_245, %parallel_loop3A_247 : vector<16xi32>
          %parallel_loop3A_249 = tpu.vector_load_idx %arg11[%add3A_135, %parallel_loop3A_248] : memref<128x65xf32, #tpu.memory_space<vmem>>[vector<16xi32>, vector<16xi32>], vector<16xf32>,
          %parallel_loop3A_250 = arith.subf %parallel_loop3A_237, %parallel_loop3A_191 : vector<16xf32>
          %parallel_loop3A_251 = arith.subf %parallel_loop3A_241, %parallel_loop3A_191 : vector<16xf32>
          %parallel_loop3A_252 = arith.divf %parallel_loop3A_250, %parallel_loop3A_251 : vector<16xf32>
          %parallel_loop3A_253 = arith.constant 0.000000e+00 : f32
          %parallel_loop3A_254 = arith.constant 1.000000e+00 : f32
          %parallel_loop3A_255 = vector.broadcast %parallel_loop3A_253 : f32 to vector<16xf32>
          %parallel_loop3A_256 = arith.maximumf %parallel_loop3A_255, %parallel_loop3A_252 : vector<16xf32>
          %parallel_loop3A_257 = vector.broadcast %parallel_loop3A_254 : f32 to vector<16xf32>
          %parallel_loop3A_258 = arith.minimumf %parallel_loop3A_257, %parallel_loop3A_256 : vector<16xf32>
          %parallel_loop3A_259 = arith.subf %parallel_loop3A_249, %parallel_loop3A_192 : vector<16xf32>
          %parallel_loop3A_260 = arith.mulf %parallel_loop3A_258, %parallel_loop3A_259 : vector<16xf32>
          %parallel_loop3A_261 = arith.addf %parallel_loop3A_192, %parallel_loop3A_260 : vector<16xf32>
          %parallel_loop3A_262 = arith.constant dense<true> : vector<16xi1>
          %parallel_loop3A_263 = arith.xori %parallel_loop3A_242, %parallel_loop3A_262 : vector<16xi1>
          tpu.vector_store_idx %arg16[%add3A_9, %parallel_loop3A_190], %parallel_loop3A_261 masked %parallel_loop3A_263 : memref<32x132xf32, #tpu.memory_space<vmem>>[vector<16xi32>, vector<16xi32>], vector<16xf32>, vector<16xi1>
          %parallel_loop3A_264 = arith.extui %parallel_loop3A_242 : vector<16xi1> to vector<16xi32>
          %parallel_loop3A_265 = arith.addi %parallel_loop3A_189, %parallel_loop3A_264 : vector<16xi32>
          %parallel_loop3A_266 = arith.constant dense<true> : vector<16xi1>
          %parallel_loop3A_267 = arith.xori %parallel_loop3A_242, %parallel_loop3A_266 : vector<16xi1>
          %parallel_loop3A_268 = arith.extui %parallel_loop3A_267 : vector<16xi1> to vector<16xi32>
          %parallel_loop3A_269 = arith.addi %parallel_loop3A_190, %parallel_loop3A_268 : vector<16xi32>
          %parallel_loop3A_270 = arith.select %parallel_loop3A_242, %parallel_loop3A_241, %parallel_loop3A_191 : vector<16xi1>, vector<16xf32>
          %parallel_loop3A_271 = arith.select %parallel_loop3A_242, %parallel_loop3A_249, %parallel_loop3A_192 : vector<16xi1>, vector<16xf32>
          %parallel_loop3A_272 = arith.constant 0.000000e+00 : f32
          %parallel_loop3A_273 = arith.constant 1.000000e+00 : f32
          %parallel_loop3A_274 = vector.broadcast %parallel_loop3A_272 : f32 to vector<16xf32>
          %parallel_loop3A_275 = vector.broadcast %parallel_loop3A_273 : f32 to vector<16xf32>
          %parallel_loop3A_276 = arith.select %parallel_loop3A_242, %parallel_loop3A_274, %parallel_loop3A_275 : vector<16xi1>, vector<16xf32>
          %parallel_loop3A_277 = arith.addf %parallel_loop3A_193, %parallel_loop3A_276 : vector<16xf32>
          scf.yield %parallel_loop3A_223, %parallel_loop3A_227, %parallel_loop3A_228, %parallel_loop3A_229, %parallel_loop3A_235, %parallel_loop3A_265, %parallel_loop3A_269, %parallel_loop3A_270, %parallel_loop3A_271, %parallel_loop3A_277 : vector<16xi32>, vector<16xi32>, vector<16xf32>, vector<16xf32>, vector<16xf32>, vector<16xi32>, vector<16xi32>, vector<16xf32>, vector<16xf32>, vector<16xf32>
        } {sc.loop_unroll_factor = 1 : i64, sc.parallel_access}
        %gather3A_160 = tpu.vector_load_idx %arg13[%add3A_127] : memref<128xf32, #tpu.memory_space<vmem>>[vector<16xi32>], vector<16xf32>,
        %gather3A_161 = tpu.vector_load_idx %arg13[%add3A_135] : memref<128xf32, #tpu.memory_space<vmem>>[vector<16xi32>], vector<16xf32>,
        %gather3A_162 = tpu.vector_load_idx %arg14[%add3A_127] : memref<128xf32, #tpu.memory_space<vmem>>[vector<16xi32>], vector<16xf32>,
        %sub3A = arith.subf %gather3A_162, %gather3A_160 : vector<16xf32>
        %gather3A_163 = tpu.vector_load_idx %arg14[%add3A_135] : memref<128xf32, #tpu.memory_space<vmem>>[vector<16xi32>], vector<16xf32>,
        %sub3A_164 = arith.subf %gather3A_163, %gather3A_161 : vector<16xf32>
        %broadcast_in_dim3A_165 = arith.constant 64 : i32
        %broadcast_in_dim3A_166 = vector.broadcast %broadcast_in_dim3A_165 : i32 to vector<16xi32>
        %broadcast_in_dim3A_167 = arith.constant 128 : i32
        %broadcast_in_dim3A_168 = vector.broadcast %broadcast_in_dim3A_167 : i32 to vector<16xi32>
        %gather3A_169 = tpu.vector_load_idx %arg11[%add3A_127, %broadcast_in_dim3A_166] : memref<128x65xf32, #tpu.memory_space<vmem>>[vector<16xi32>, vector<16xi32>], vector<16xf32>,
        %gather3A_170 = tpu.vector_load_idx %arg16[%add3A_6, %broadcast_in_dim3A_166] : memref<32x132xf32, #tpu.memory_space<vmem>>[vector<16xi32>, vector<16xi32>], vector<16xf32>,
        %max3A = arith.maximumf %gather3A_169, %gather3A_170 : vector<16xf32>
        %mul3A_171 = arith.mulf %max3A, %sub3A : vector<16xf32>
        %add3A_172 = arith.addf %gather3A_160, %mul3A_171 : vector<16xf32>
        tpu.vector_store_idx %arg17[%add3A_127, %broadcast_in_dim3A_168], %add3A_172 : memref<128x129xf32, #tpu.memory_space<vmem>>[vector<16xi32>, vector<16xi32>], vector<16xf32>,
        tpu.vector_store_idx %arg16[%add3A_6, %broadcast_in_dim3A_166], %broadcast_in_dim3A_142 : memref<32x132xf32, #tpu.memory_space<vmem>>[vector<16xi32>, vector<16xi32>], vector<16xf32>,
        %gather3A_173 = tpu.vector_load_idx %arg11[%add3A_135, %broadcast_in_dim3A_166] : memref<128x65xf32, #tpu.memory_space<vmem>>[vector<16xi32>, vector<16xi32>], vector<16xf32>,
        %gather3A_174 = tpu.vector_load_idx %arg16[%add3A_9, %broadcast_in_dim3A_166] : memref<32x132xf32, #tpu.memory_space<vmem>>[vector<16xi32>, vector<16xi32>], vector<16xf32>,
        %max3A_175 = arith.maximumf %gather3A_173, %gather3A_174 : vector<16xf32>
        %mul3A_176 = arith.mulf %max3A_175, %sub3A_164 : vector<16xf32>
        %add3A_177 = arith.addf %gather3A_161, %mul3A_176 : vector<16xf32>
        tpu.vector_store_idx %arg17[%add3A_135, %broadcast_in_dim3A_168], %add3A_177 : memref<128x129xf32, #tpu.memory_space<vmem>>[vector<16xi32>, vector<16xi32>], vector<16xf32>,
        tpu.vector_store_idx %arg16[%add3A_9, %broadcast_in_dim3A_166], %broadcast_in_dim3A_142 : memref<32x132xf32, #tpu.memory_space<vmem>>[vector<16xi32>, vector<16xi32>], vector<16xf32>,
        %parallel_loop3A_178 = arith.constant 0 : i32
        %parallel_loop3A_179 = arith.constant 128 : i32
        %parallel_loop3A_180 = arith.constant 1 : i32
        %parallel_loop3A_181:4 = scf.for %parallel_loop3A_183 = %parallel_loop3A_178 to %parallel_loop3A_179 step %parallel_loop3A_180 iter_args(%parallel_loop3A_184 = %broadcast_in_dim3A_3, %parallel_loop3A_185 = %broadcast_in_dim3A_3, %parallel_loop3A_186 = %broadcast_in_dim3A_3, %parallel_loop3A_187 = %broadcast_in_dim3A_3) -> (vector<16xi32>, vector<16xi32>, vector<16xi32>, vector<16xi32>)  : i32 {
          %parallel_loop3A_188 = vector.broadcast %parallel_loop3A_183 : i32 to vector<16xi32>
          %parallel_loop3A_189 = tpu.vector_load_idx %arg11[%add3A_127, %parallel_loop3A_184] : memref<128x65xf32, #tpu.memory_space<vmem>>[vector<16xi32>, vector<16xi32>], vector<16xf32>,
          %parallel_loop3A_190 = tpu.vector_load_idx %arg16[%add3A_6, %parallel_loop3A_185] : memref<32x132xf32, #tpu.memory_space<vmem>>[vector<16xi32>, vector<16xi32>], vector<16xf32>,
          %parallel_loop3A_191 = arith.cmpf olt, %parallel_loop3A_189, %parallel_loop3A_190 : vector<16xf32>
          %parallel_loop3A_192 = arith.minimumf %parallel_loop3A_189, %parallel_loop3A_190 : vector<16xf32>
          %parallel_loop3A_193 = arith.mulf %parallel_loop3A_192, %sub3A : vector<16xf32>
          %parallel_loop3A_194 = arith.addf %gather3A_160, %parallel_loop3A_193 : vector<16xf32>
          tpu.vector_store_idx %arg17[%add3A_127, %parallel_loop3A_188], %parallel_loop3A_194 : memref<128x129xf32, #tpu.memory_space<vmem>>[vector<16xi32>, vector<16xi32>], vector<16xf32>,
          %parallel_loop3A_195 = arith.extui %parallel_loop3A_191 : vector<16xi1> to vector<16xi32>
          %parallel_loop3A_196 = arith.addi %parallel_loop3A_184, %parallel_loop3A_195 : vector<16xi32>
          %parallel_loop3A_197 = arith.constant dense<true> : vector<16xi1>
          %parallel_loop3A_198 = arith.xori %parallel_loop3A_191, %parallel_loop3A_197 : vector<16xi1>
          %parallel_loop3A_199 = arith.extui %parallel_loop3A_198 : vector<16xi1> to vector<16xi32>
          %parallel_loop3A_200 = arith.addi %parallel_loop3A_185, %parallel_loop3A_199 : vector<16xi32>
          %parallel_loop3A_201 = tpu.vector_load_idx %arg11[%add3A_135, %parallel_loop3A_186] : memref<128x65xf32, #tpu.memory_space<vmem>>[vector<16xi32>, vector<16xi32>], vector<16xf32>,
          %parallel_loop3A_202 = tpu.vector_load_idx %arg16[%add3A_9, %parallel_loop3A_187] : memref<32x132xf32, #tpu.memory_space<vmem>>[vector<16xi32>, vector<16xi32>], vector<16xf32>,
          %parallel_loop3A_203 = arith.cmpf olt, %parallel_loop3A_201, %parallel_loop3A_202 : vector<16xf32>
          %parallel_loop3A_204 = arith.minimumf %parallel_loop3A_201, %parallel_loop3A_202 : vector<16xf32>
          %parallel_loop3A_205 = arith.mulf %parallel_loop3A_204, %sub3A_164 : vector<16xf32>
          %parallel_loop3A_206 = arith.addf %gather3A_161, %parallel_loop3A_205 : vector<16xf32>
          tpu.vector_store_idx %arg17[%add3A_135, %parallel_loop3A_188], %parallel_loop3A_206 : memref<128x129xf32, #tpu.memory_space<vmem>>[vector<16xi32>, vector<16xi32>], vector<16xf32>,
          %parallel_loop3A_207 = arith.extui %parallel_loop3A_203 : vector<16xi1> to vector<16xi32>
          %parallel_loop3A_208 = arith.addi %parallel_loop3A_186, %parallel_loop3A_207 : vector<16xi32>
          %parallel_loop3A_209 = arith.constant dense<true> : vector<16xi1>
          %parallel_loop3A_210 = arith.xori %parallel_loop3A_203, %parallel_loop3A_209 : vector<16xi1>
          %parallel_loop3A_211 = arith.extui %parallel_loop3A_210 : vector<16xi1> to vector<16xi32>
          %parallel_loop3A_212 = arith.addi %parallel_loop3A_187, %parallel_loop3A_211 : vector<16xi32>
          scf.yield %parallel_loop3A_196, %parallel_loop3A_200, %parallel_loop3A_208, %parallel_loop3A_212 : vector<16xi32>, vector<16xi32>, vector<16xi32>, vector<16xi32>
        } {sc.loop_unroll_factor = 4 : i64, sc.parallel_access}
        %scan3A_182 = arith.constant 0 : i32
        scf.yield %scan3A_182 : i32
      }
      %scan3A_116 = arith.constant 4 : i32
      "tpu.region"() ({
        %run_scoped3A = tpu.sem_alloc : memref<!tpu.dma_semaphore, #tpu.memory_space<semaphore_mem>>
        %dma_start3A_118 = arith.constant 0 : i32
        %dma_start3A_119 = tpu.memref_slice %arg6[%add3A_109, %dma_start3A_118] : memref<65536x129xf32, #tpu.memory_space<hbm>> -> memref<128x129xf32, #tpu.memory_space<hbm>>
        %dma_start3A_120 = arith.constant 0 : i32
        %dma_start3A_121 = tpu.memref_slice %arg6[%add3A_109, %dma_start3A_120] : memref<65536x129xf32, #tpu.memory_space<hbm>> -> memref<128x129xf32, #tpu.memory_space<hbm>>
        tpu.enqueue_dma source(%arg17 : memref<128x129xf32, #tpu.memory_space<vmem>>) target(%dma_start3A_121 : memref<128x129xf32, #tpu.memory_space<hbm>>) target_semaphore(%run_scoped3A : memref<!tpu.dma_semaphore, #tpu.memory_space<semaphore_mem>>)
        %dma_wait3A_122 = arith.constant 0 : i32
        %dma_wait3A_123 = tpu.memref_slice %arg6[%add3A_109, %dma_wait3A_122] : memref<65536x129xf32, #tpu.memory_space<hbm>> -> memref<128x129xf32, #tpu.memory_space<hbm>>
        %dma_wait3A_124 = arith.constant 0 : i32
        %dma_wait3A_125 = tpu.memref_slice %arg6[%add3A_109, %dma_wait3A_124] : memref<65536x129xf32, #tpu.memory_space<hbm>> -> memref<128x129xf32, #tpu.memory_space<hbm>>
        tpu.wait_dma2 semaphore(%run_scoped3A : memref<!tpu.dma_semaphore, #tpu.memory_space<semaphore_mem>>) src(%arg17 : memref<128x129xf32, #tpu.memory_space<vmem>>) dst(%dma_wait3A_125 : memref<128x129xf32, #tpu.memory_space<hbm>>)
        tpu.yield
      }) : () -> ()
      %scan3A_117 = arith.constant 0 : i32
      scf.yield %scan3A_117 : i32
    }
    %scan3A_30 = arith.constant 8 : i32
    return
  }
}

</mosaic_0001>

<sc_bundles>
// kernel: kernel.3.cloned.1.call-start
scs
__scs_entry_jumppad:
0x0: {  	(pc) =	sbr.rel $0x88, $3  }
0x1: {  	(tag) =	ssettag $0x0;
	lr =	simm.s32 $0x1  }
0x2: {  	[smem:$0x3F9D] =	sst lr;
	_ =	strace $0xD0000000  }
0x3: {  	_ = 	snop  }
0x4: {  	_ = 	snop  }
0x5: {  	_ = 	snop  }
0x6: {  	_ = 	snop  }
0x7: {  	_ = 	snop  }
__scs_overlays_trampoline_lowered:
0x8: {  	[smem:$0x3FAC] =	sst s0  }
0x9: {  	[smem:$0x3FAD] =	sst s1  }
0xa: {  	[smem:$0x3FAE] =	sst s2  }
0xb: {  	[smem:$0x3FAF] =	sst s3  }
0xc: {  	[smem:$0x3FB0] =	sst s4  }
0xd: {  	[smem:$0x3FB1] =	sst s5  }
0xe: {  	[smem:$0x3FB2] =	sst s6  }
0xf: {  	[smem:$0x3FB3] =	sst s7  }
0x10: {  	[smem:$0x3FB4] =	sst s8  }
0x11: {  	[smem:$0x3FB5] =	sst s9;
	s0 =	simm.s32 @!p0 $0x0  }
0x12: {  	s1 =	sld [smem:$0x3F9B];
	s0 =	simm.s32 @p0 $0x1  }
0x13: {  	[smem:$0x3FB6] =	sst s0;
	s0 =	simm.s32 @!p1 $0x0  }
0x14: {  	s2 =	sld [smem:$0x3F9A];
	s0 =	simm.s32 @p1 $0x1  }
0x15: {  	[smem:$0x3FB7] =	sst s0;
	s0 =	simm.s32 @!p2 $0x0  }
0x16: {  	s3 =	sld [smem:$0x3FDB];
	s0 =	simm.s32 @p2 $0x1  }
0x17: {  	s4 =	simm.s32 $0x1BF5;
	[smem:$0x3FB9] =	sst s0  }
0x18: {  	s0 =	sld [smem:$0x3F9C];
	_ =	swait.ge [sflag:s4], $0x0  }
0x19: {  	s7 =	sld [smem:$0x3F9D]  }
0x1a: {  	s8 =	sadd.s32 $0xFFFFE003, lr  }
0x1b: {  	s9 =	sadd.s32 $0xFFFFFEF7, lr;
	s5 =	simm.s32 $0xFFFFFFFF;
	p2 =	slt.u32 s8, $0xFFFFF086  }
0x1c: {  	p1 =	slt.u32 s9, $0xF7A;
	s5 =	simm.s32 @!p2 $0x0  }
0x1d: {  	s5 =	simm.s32 @p1 $0x1;
	p0 =	seq.s32 s7, s2  }
0x1e: {  	s7 =	smul.u32 @!p0 $0xF7A, s2;
	p2 =	seq.s32 @!p0 s5, $0x0  }
0x1f: {  	s9 =	smul.u32 $0xF7A, s1;
	s8 =	simm.s32 @!p0 $0x1BF5;
	p2 =	por !p2, p0  }
0x20: {  	[sflag:s8] =	ssyncset.s32 @!p0 $0xFFFFF086;
	s6 =	sadd.s32 @!p0 s3, s7;
	s7 =	simm.s32 @!p0 $0x108  }
0x21: {  	s3 =	sadd.s32 s3, s9;
	s6 =	sadd.s32 @!p0 $0x88, s6;
	s7 =	simm.s32 @p2 $0x1082  }
0x22: {  	[simem:s7], [sflag:s8] =	dma.local @!p0 [hbm:s6], $0xF7A  }
0x23: {  	s9 =	sor.u32 $0xD0000000, s2;
	s6 =	simm.s32 $0x108;
	_ =	swait.ge @!p0 [sflag:s8], $0x0  }
0x24: {  	s3 =	sadd.s32 $0x88, s3;
	s6 =	simm.s32 @!p1 $0x1082;
	[sflag:s4] =	ssyncset.s32 $0xFFFFF086  }
0x25: {  	[simem:s6], [sflag:s4] =	dma.local [hbm:s3], $0xF7A  }
0x26: {  	[smem:$0x3F9D] =	sst s1;
	(tag) =	ssettag s2;
	_ =	strace s9  }
0x27: {  	s1 =	sld [smem:$0x3FAD]  }
0x28: {  	s2 =	sld [smem:$0x3FAE]  }
0x29: {  	s4 =	sld [smem:$0x3FB0]  }
0x2a: {  	p0 =	seq.s32 s5, $0x0;
	s5 =	sld [smem:$0x3FB1]  }
0x2b: {  	s6 =	sld [smem:$0x3FB2]  }
0x2c: {  	s7 =	sld [smem:$0x3FB3]  }
0x2d: {  	s3 =	simm.s32 $0x108;
	s8 =	sld [smem:$0x3FB4]  }
0x2e: {  	s3 =	simm.s32 @!p0 $0x1082;
	s9 =	sld [smem:$0x3FB5]  }
0x2f: {  	lr =	sadd.s32 s0, s3;
	s0 =	sld [smem:$0x3FAC]  }
0x30: {  	s3 =	sld [smem:$0x3FAF]  }
0x31: {  	[smem:$0x3FB8] =	sst s10  }
0x32: {  	s10 =	sld [smem:$0x3FB6];
	_ =	sdelay $0x3  }
0x33: {  	p0 =	seq.s32 s10, $0x1;
	s10 =	sld [smem:$0x3FB8];
	_ =	sdelay $0x3  }
0x34: {  	[smem:$0x3FB8] =	sst s10  }
0x35: {  	s10 =	sld [smem:$0x3FB7];
	_ =	sdelay $0x3  }
0x36: {  	p1 =	seq.s32 s10, $0x1;
	s10 =	sld [smem:$0x3FB8];
	_ =	sdelay $0x3  }
0x37: {  	[smem:$0x3FB8] =	sst s10  }
0x38: {  	s10 =	sld [smem:$0x3FB9]  }
0x39: {  	_ = 	snop;
	(pc) =	sbr.ind lr, $3  }
0x3a: {  	_ = 	snop  }
0x3b: {  	_ = 	snop  }
0x3c: {  	p2 =	seq.s32 s10, $0x1;
	s10 =	sld [smem:$0x3FB8]  }
0x3d: {  	_ =	shalt  }
0x3e: {  	_ =	shalt  }
0x3f: {  	_ =	shalt  }
0x40: {  	_ =	shalt  }
0x41: {  	_ =	shalt  }
0x42: {  	_ =	shalt  }
0x43: {  	_ =	shalt  }
0x44: {  	_ =	shalt  }
0x45: {  	_ =	shalt  }
0x46: {  	_ =	shalt  }
0x47: {  	_ =	shalt  }
0x48: {  	_ =	shalt  }
0x49: {  	_ =	shalt  }
0x4a: {  	_ =	shalt  }
0x4b: {  	_ =	shalt  }
0x4c: {  	_ =	shalt  }
0x4d: {  	_ =	shalt  }
0x4e: {  	_ =	shalt  }
0x4f: {  	_ =	shalt  }
0x50: {  	_ =	shalt  }
0x51: {  	_ =	shalt  }
0x52: {  	_ =	shalt  }
0x53: {  	_ =	shalt  }
0x54: {  	_ =	shalt  }
0x55: {  	_ =	shalt  }
0x56: {  	_ =	shalt  }
0x57: {  	_ =	shalt  }
0x58: {  	_ =	shalt  }
0x59: {  	_ =	shalt  }
0x5a: {  	_ =	shalt  }
0x5b: {  	_ =	shalt  }
0x5c: {  	_ =	shalt  }
0x5d: {  	_ =	shalt  }
0x5e: {  	_ =	shalt  }
0x5f: {  	_ =	shalt  }
0x60: {  	_ =	shalt  }
0x61: {  	_ =	shalt  }
0x62: {  	_ =	shalt  }
0x63: {  	_ =	shalt  }
0x64: {  	_ =	shalt  }
0x65: {  	_ =	shalt  }
0x66: {  	_ =	shalt  }
0x67: {  	_ =	shalt  }
0x68: {  	_ =	shalt  }
0x69: {  	_ =	shalt  }
0x6a: {  	_ =	shalt  }
0x6b: {  	_ =	shalt  }
0x6c: {  	_ =	shalt  }
0x6d: {  	_ =	shalt  }
0x6e: {  	_ =	shalt  }
0x6f: {  	_ =	shalt  }
0x70: {  	_ =	shalt  }
0x71: {  	_ =	shalt  }
0x72: {  	_ =	shalt  }
0x73: {  	_ =	shalt  }
0x74: {  	_ =	shalt  }
0x75: {  	_ =	shalt  }
0x76: {  	_ =	shalt  }
0x77: {  	_ =	shalt  }
0x78: {  	_ =	shalt  }
0x79: {  	_ =	shalt  }
0x7a: {  	_ =	shalt  }
0x7b: {  	_ =	shalt  }
0x7c: {  	_ =	shalt  }
0x7d: {  	_ =	shalt  }
0x7e: {  	_ =	shalt  }
0x7f: {  	_ =	shalt  }
0x80: {  	_ =	shalt  }
0x81: {  	_ =	shalt  }
0x82: {  	_ =	shalt  }
0x83: {  	_ =	shalt  }
0x84: {  	_ =	shalt  }
0x85: {  	_ =	shalt  }
0x86: {  	_ =	shalt  }
0x87: {  	_ =	shalt  }
.Lfunc_end0:
.L_simem_size_0:
called_computation_lowered:
.L_overlay_start_0:
0x88: {  	s2 =	sld [smem:$0x3FD9]  }
0x89: {  	s3 =	sld [smem:$0x3FFE];
	_ =	sdelay $0x1  }
0x8a: {  	s1 =	srdreg.scid  }
0x8b: {  	s0 =	sand.u32 $0x1, s1  }
0x8c: {  	s17 =	sshll.u32 s0, $0xA;
	s2 =	sadd.s32 s3, s2  }
0x8d: {  	s2 =	sadd.s32 s2, s17  }
0x8e: {  	[smem:$0x3FC4] =	sst s2  }
0x8f: {  	_ = 	snop  }
0x90: {  	s2 =	sld [smem:$0x3FC7]  }
0x91: {  	s18 =	sld [smem:$0x3FC6]  }
0x92: {  	s4 =	sld [smem:$0x3FD0];
	(tm) =	ssettm $0x1  }
0x93: {  	s5 =	sld [smem:$0x3FFB];
	_ =	sdelay $0x3  }
0x94: {  	_ =	strace s5  }
0x95: {  	s5 =	sld [smem:$0x3FFC];
	_ =	sdelay $0x3  }
0x96: {  	_ =	strace s5  }
0x97: {  	s5 =	sld [smem:$0x3FFD];
	_ =	sdelay $0x3  }
0x98: {  	_ =	strace s5  }
0x99: {  	_ =	strace $0x8FFFFFFF  }
0x9a: {  	s19 =	sld [smem:$0x3FDB];
	_ =	sdelay $0x1  }
0x9b: {  	s6 =	simm.s32 $_scs_section_size  }
0x9c: {  	s7 =	simm.s32 $_size__tile_overlayer_lowered;
	s8 =	simm.s32 $_tile_overlayer_lowered  }
0x9d: {  	s22 =	simm.s32 $0x1BFF;
	s21 =	sshll.u32 s8, $0x1;
	s5 =	sadd.s32 s6, s19  }
0x9e: {  	s9 =	simm.s32 $0x0;
	s20 =	sshll.u32 s7, $0x1;
	s7 =	sadd.s32 s21, s5  }
0x9f: {  	[timem:s9], [sflag:s22] =	dma.local [hbm:s7], s20  }
0xa0: {  	_ =	swait.ge [sflag:s22], s20  }
0xa1: {  	s6 =	ssub.s32 $0x0, s20;
	[sflag:s22] =	ssyncset.done $0x0  }
0xa2: {  	[sflag:s22] =	ssyncadd.s32 s6;
	_ =	sdelay $0x1  }
0xa3: {  	s23 =	simm.s32 $0x1B8B  }
0xa4: {  	_ =	swait.ge [sflag:s23], $0x1  }
0xa5: {  	[sflag:s23] =	ssyncset.done $0x0  }
0xa6: {  	s25 =	simm.s32 $0x1B8E;
	s24 =	sld [smem:$0x3FFE];
	[sflag:s23] =	ssyncadd.s32 $0xFFFFFFFF  }
0xa7: {  	s26 =	simm.s32 $execute0_lowered;
	[smem:$0x3FD2] =	sst s25  }
0xa8: {  	s7 =	sshll.u32 s26, $0x1;
	_ =	strace $0x80000046;
	[dreg:$0x1] =	wrdreg $0xFFFFFFFF  }
0xa9: {  	s28 =	simm.s32 $_size_execute0_lowered;
	s5 =	sadd.s32 s5, s7;
	[dreg:$0x0] =	wrdreg $0x0  }
0xaa: {  	s7 =	sshll.u32 s28, $0x1;
	[dreg:$0x2] =	wrdreg s5  }
0xab: {  	[dreg:$0x3] =	wrdreg s7  }
0xac: {  	[dreg:$0x4] =	wrdreg $0xC0  }
0xad: {  	_ =	task [dreg:s9], $0x5FFFF  }
0xae: {  	[dreg:$0x1] =	wrdreg $0xFFFFFFFF  }
0xaf: {  	[dreg:$0x0] =	wrdreg $0x60  }
0xb0: {  	[dreg:$0x2] =	wrdreg s4  }
0xb1: {  	[dreg:$0x3] =	wrdreg s24  }
0xb2: {  	[dreg:$0x4] =	wrdreg s2  }
0xb3: {  	[dreg:$0x5] =	wrdreg s18  }
0xb4: {  	[dreg:$0x6] =	wrdreg $0x9  }
0xb5: {  	_ =	task.clear_ibuf [dreg:s9], $0x7FFFF;
	_ =	strace $0x90000046  }
0xb6: {  	s29 =	simm.s32 $0x9;
	_ =	strace $0x80000048  }
0xb7: {  	_ =	swait.ge [sflag:s29], $0x1  }
0xb8: {  	[sflag:s29] =	ssyncadd.s32 $0xFFFFFFFF  }
0xb9: {  	_ =	strace $0x90000048  }
0xba: {  	_ =	sfence  }
0xbb: {  	s30 =	sld [smem:$0x0];
	_ =	sdelay $0x2  }
0xbc: {  	s31 =	sshll.u32 s1, $0xD;
	s1 =	sshrl.u32 s1, $0x2  }
0xbd: {  	s3 =	sand.u32 $0x4000, s31;
	s1 =	sadd.s32 s1, s30  }
0xbe: {  	s0 =	sor.u32 s3, s0;
	s1 =	sshll.u32 s1, $0x11  }
0xbf: {  	s0 =	sor.u32 s1, s0  }
0xc0: {  	s0 =	sadd.s32 $0x8F2B, s0  }
0xc1: {  	[sflag:s0] =	ssyncadd.remote.s32 $0x1  }
0xc2: {  	_ =	sfence.sel $0xFFFF  }
0xc3: {  	[dreg:$0x0] =	wrdreg $0xFFFFFFFF;
	(pc) =	sbr.abs _section_cstart, $3  }
0xc4: {  	[dreg:$0x1] =	wrdreg $0xFFFFFFFF  }
0xc5: {  	_ =	task.clear_ibuf [dreg:s9], $0x2FFFF;
	_ =	strace $0x9FFFFFFF  }
0xc6: {  	(tm) =	ssettm $0x7FFFFFFF  }
0xc7: {  	_ =	shalt  }
tec
execute0_lowered:
.L_overlay_start_1:
0x0: {  	(tag) =	ssettag $0x1  }
0x1: {  	v0 =	vimm.s32 $0xB80;
	vm14 =	vcmask $0x300;
	vm13 =	vcmask $0x704  }
0x2: {  	vm12 =	vcmask $0xB08;
	vm11 =	vcmask $0xF0C;
	vm10 =	vcmask $0x1310  }
0x3: {  	vm9 =	vcmask $0x1714;
	vm8 =	vcmask $0x1B18;
	vm7 =	vcmask $0x1F1C  }
0x4: {  	vm6 =	vcmask $0x2320;
	vm5 =	vcmask $0x2724;
	vm4 =	vcmask $0x2B28  }
0x5: {  	vm3 =	vcmask $0x2F2C;
	vm2 =	vcmask $0x3330;
	vm1 =	vcmask $0x3734  }
0x6: {  	vm0 =	vcmask $0x3B38;
	v9 =	vimm.s32 $0x1B80;
	v8 =	vimm.s32 $0x0  }
0x7: {  	v10 =	vimm.s32 $0xBC0;
	v11 =	vimm.s32 $0x1BC0;
	v0 =	vsel vm14, $0x0, v0  }
0x8: {  	v9 =	vsel vm14, $0x1000, v9;
	v10 =	vsel vm14, $0x40, v10;
	v11 =	vsel vm14, $0x1040, v11  }
0x9: {  	v0 =	vsel vm13, $0x80, v0;
	v9 =	vsel vm13, $0x1080, v9;
	v10 =	vsel vm13, $0xC0, v10  }
0xa: {  	v11 =	vsel vm13, $0x10C0, v11;
	v0 =	vsel vm12, $0x100, v0;
	v9 =	vsel vm12, $0x1100, v9  }
0xb: {  	s6 =	rddreg [dreg:$0x0];
	v10 =	vsel vm12, $0x140, v10;
	v11 =	vsel vm12, $0x1140, v11;
	v1 =	vsel vm11, $0x180, v0  }
0xc: {  	s0 =	rddreg [dreg:$0x1];
	v0 =	vlaneseq.u32;
	v9 =	vsel vm11, $0x1180, v9;
	v10 =	vsel vm11, $0x1C0, v10  }
0xd: {  	s7 =	rddreg [dreg:$0x2];
	v11 =	vsel vm11, $0x11C0, v11;
	v1 =	vsel vm10, $0x200, v1;
	v5 =	vmul.u32 $0x80, v0  }
0xe: {  	s8 =	rddreg [dreg:$0x3];
	v9 =	vsel vm10, $0x1200, v9;
	v10 =	vsel vm10, $0x240, v10;
	v11 =	vsel vm10, $0x1240, v11  }
0xf: {  	s4 =	simm.s32 $0x0;
	s1 =	srdreg.scid;
	s3 =	stileid.u32;
	v12 =	vand.u32 $0x7, v0;
	v1 =	vsel vm9, $0x280, v1;
	v9 =	vsel vm9, $0x1280, v9  }
0x10: {  	s16 =	simm.s32 $0x4000;
	s17 =	simm.s32 $0x8000;
	s18 =	simm.s32 $0x8080;
	v10 =	vsel vm9, $0x2C0, v10;
	v11 =	vsel vm9, $0x12C0, v11;
	v2 =	vsel vm8, $0x300, v1  }
0x11: {  	s19 =	simm.s32 $0x1;
	s20 =	simm.s32 $0x8100;
	[smem:$0x7FF] =	sst s4;
	v1 =	vor.u32 $0x1, v5;
	v9 =	vsel vm8, $0x1300, v9;
	v10 =	vsel vm8, $0x340, v10  }
0x12: {  	s29 =	simm.s32 $0x2;
	s3 =	sshll.u32 s3, $0xC;
	s21 =	sadd.s32 $0x101400, s0;
	v11 =	vsel vm8, $0x1340, v11;
	v3 =	vsel vm7, $0x380, v2;
	v2 =	vor.u32 $0x801, v5  }
0x13: {  	s1 =	sand.u32 $0x1, s1;
	s9 =	sadd.s32 $0x1400, s0;
	_ =	strace $0x80000047;
	v9 =	vsel vm7, $0x1380, v9;
	v10 =	vsel vm7, $0x3C0, v10;
	v11 =	vsel vm7, $0x13C0, v11  }
0x14: {  	s2 =	ssub.s32 $0x2, s1;
	s1 =	sshll.u32 s1, $0xB;
	[dreg:$0x5] =	wrdreg s9;
	v4 =	vsel vm6, $0x800, v3;
	v3 =	vor.u32 $0x41, v5;
	v5 =	vor.u32 $0x841, v5  }
0x15: {  	[dreg:$0x6] =	wrdreg s21;
	s5 =	sshrl.u32 s2, $0x1;
	s1 =	sor.u32 s1, s3;
	v9 =	vsel vm6, $0x1800, v9;
	v10 =	vsel vm6, $0x840, v10;
	v11 =	vsel vm6, $0x1840, v11  }
0x16: {  	s22 =	ssub.s32 s2, s5;
	s23 =	sshll.u32 s1, $0x4;
	s30 =	sor.u32 $0x100, s1;
	v6 =	vsel vm5, $0x880, v4;
	v4 =	vimm.f32 $+Inf;
	v9 =	vsel vm5, $0x1880, v9  }
0x17: {  	s25 =	sshrl.u32 s1, $0x3;
	s31 =	sor.u32 $0x80, s1;
	[dreg:$0xc] =	wrdreg s30;
	v10 =	vsel vm5, $0x8C0, v10;
	v11 =	vsel vm5, $0x18C0, v11;
	v6 =	vsel vm4, $0x900, v6  }
0x18: {  	s28 =	sshll.u32 s1, $0x5;
	s24 =	sadd.s32 s6, s23;
	[dreg:$0xe] =	wrdreg s31;
	v9 =	vsel vm4, $0x1900, v9;
	v10 =	vsel vm4, $0x940, v10;
	v11 =	vsel vm4, $0x1940, v11  }
0x19: {  	s1 =	simm.s32 $0x0;
	s2 =	sadd.s32 s9, s23;
	[dreg:$0x7] =	wrdreg s24;
	v7 =	vsel vm3, $0x980, v6;
	v6 =	vimm.f32 $1.000000000e+00;
	v9 =	vsel vm3, $0x1980, v9  }
0x1a: {  	s26 =	sadd.s32 s7, s25;
	s0 =	smax.u32 s22, $0x1;
	[dreg:$0x8] =	wrdreg s2;
	v10 =	vsel vm3, $0x9C0, v10;
	v11 =	vsel vm3, $0x19C0, v11;
	v7 =	vsel vm2, $0xA00, v7  }
0x1b: {  	s22 =	simm.s32 $0x10100;
	s23 =	simm.s32 $0x10180;
	[dreg:$0x9] =	wrdreg s26;
	v9 =	vsel vm2, $0x1A00, v9;
	v10 =	vsel vm2, $0xA40, v10;
	v11 =	vsel vm2, $0x1A40, v11  }
0x1c: {  	s2 =	sadd.s32 s8, s25;
	[dreg:$0xd] =	wrdreg s0;
	s24 =	simm.s32 $0x10200;
	v7 =	vsel vm1, $0xA80, v7;
	v9 =	vsel vm1, $0x1A80, v9;
	v10 =	vsel vm1, $0xAC0, v10  }
0x1d: {  	s25 =	simm.s32 $0x11200;
	[dreg:$0xa] =	wrdreg s2;
	s2 =	sadd.s32 s21, s28;
	v13 =	vsel vm1, $0x1AC0, v11;
	v11 =	vmul.u32 $0x80, v12;
	v7 =	vsel vm0, $0xB00, v7  }
0x1e: {  	s26 =	simm.s32 $0x13200;
	s21 =	simm.s32 $0xC100;
	[dreg:$0xb] =	wrdreg s2;
	v9 =	vsel vm0, $0x1B00, v9;
	v10 =	vsel vm0, $0xB40, v10;
	v12 =	vsel vm0, $0x1B40, v13  }
.LBB2_1:
0x1f: {  	[dreg:$0xf] =	wrdreg s1  }
0x20: {  	s0 =	rddreg [dreg:$0x7]  }
0x21: {  	[tilespmem:s4], [sflag:$0x1] =	stream.linear.gather [hbm4b:s0+s4], $0x4000, $0x38;
	[tilespmem:$0x1B200] =	vst v63  }
0x22: {  	s15 =	rddreg [dreg:$0x8]  }
0x23: {  	[tilespmem:s16], [sflag:$0x1] =	stream.linear.gather [hbm4b:s15+s4], $0x4000, $0x38;
	[tilespmem:$0x1B200] =	vst v63  }
0x24: {  	s28 =	rddreg [dreg:$0x9]  }
0x25: {  	[tilespmem:s17], [sflag:$0x1] =	stream.linear.gather [hbm4b:s28+s4], $0x80, $0x38;
	[tilespmem:$0x1B200] =	vst v63  }
0x26: {  	s30 =	rddreg [dreg:$0xa];
	s31 =	simm.s32 $0x0  }
0x27: {  	[tilespmem:s18], [sflag:$0x1] =	stream.linear.gather [hbm4b:s30+s4], $0x80, $0x38;
	[tilespmem:$0x1B200] =	vst v63  }
.LBB2_2:
0x28: {  	_ =	swait.ge [sflag:s19], $0x4000  }
0x29: {  	[sflag:s19] =	ssyncset.done $0x0  }
0x2a: {  	[sflag:s19] =	ssyncadd.s32 $0xFFFFC000  }
0x2b: {  	_ =	swait.ge [sflag:s19], $0x4000  }
0x2c: {  	[sflag:s19] =	ssyncset.done $0x0  }
0x2d: {  	[sflag:s19] =	ssyncadd.s32 $0xFFFFC000  }
0x2e: {  	_ =	swait.ge [sflag:s19], $0x80  }
0x2f: {  	[sflag:s19] =	ssyncset.done $0x0  }
0x30: {  	[sflag:s19] =	ssyncadd.s32 $0xFFFFFF80  }
0x31: {  	_ =	swait.ge [sflag:s19], $0x80  }
0x32: {  	s5 =	sshll.u32 s31, $0x8;
	s0 =	rddreg [dreg:$0xe];
	[sflag:s19] =	ssyncset.done $0x0  }
0x33: {  	s2 =	sor.u32 s0, s5;
	[sflag:s19] =	ssyncadd.s32 $0xFFFFFF80  }
0x34: {  	s0 =	sshll.u32 s2, $0x4;
	s1 =	rddreg [dreg:$0x0]  }
0x35: {  	s8 =	simm.s32 $0x0;
	s14 =	rddreg [dreg:$0x5];
	s1 =	sadd.s32 s1, s0  }
0x36: {  	[tilespmem:s20], [sflag:$0x2] =	stream.linear.gather [hbm4b:s1+s8], $0x4000, $0x38;
	[tilespmem:$0x1B200] =	vst v63  }
0x37: {  	s15 =	sshrl.u32 s2, $0x3;
	s28 =	rddreg [dreg:$0x2];
	s0 =	sadd.s32 s14, s0  }
0x38: {  	[tilespmem:s21], [sflag:$0x2] =	stream.linear.gather [hbm4b:s0+s8], $0x4000, $0x38;
	[tilespmem:$0x1B200] =	vst v63  }
0x39: {  	s30 =	rddreg [dreg:$0x3];
	s1 =	sadd.s32 s28, s15  }
0x3a: {  	[tilespmem:s22], [sflag:$0x2] =	stream.linear.gather [hbm4b:s1+s8], $0x80, $0x38;
	[tilespmem:$0x1B200] =	vst v63  }
0x3b: {  	s9 =	simm.s32 $0x0;
	[dreg:$0x10] =	wrdreg s2;
	s0 =	sadd.s32 s30, s15  }
0x3c: {  	[tilespmem:s23], [sflag:$0x2] =	stream.linear.gather [hbm4b:s0+s8], $0x80, $0x38;
	[tilespmem:$0x1B200] =	vst v63  }
.LBB2_3:
0x3d: {  	s0 =	sshll.u32 s9, $0x5  }
0x3e: {  	v13 =	vor.u32 s0, v0  }
0x3f: {  	v15 =	vshll.u32 v13, $0x7  }
0x40: {  	v14 =	vor.u32 s8, v15  }
0x41: {  	s6 =	simm.s32 $0x1  }
0x42: {  	v16 =	vor.u32 s6, v15  }
0x43: {  	s10 =	simm.s32 $0x2  }
0x44: {  	v17 =	vor.u32 s10, v15  }
0x45: {  	s3 =	simm.s32 $0x3;
	v18 =	vld.idx.msk [tilespmem:v14+s16+$0x0], $0xffff  }
0x46: {  	v19 =	vor.u32 s3, v15  }
0x47: {  	s1 =	simm.s32 $0x4;
	v22 =	vimm.f32 $0.0e+00;
	v20 =	vld.idx.msk [tilespmem:v16+s16+$0x0], $0xffff  }
0x48: {  	v27 =	vor.u32 s8, v1;
	v28 =	vor.u32 s8, v2;
	s0 =	sor.u32 $0x10, s0;
	v21 =	vor.u32 s1, v15  }
0x49: {  	s7 =	simm.s32 $0x5;
	v26 =	vor.u32 s1, v1;
	v30 =	vadd.s32 s6, v2;
	v16 =	vor.u32 s0, v0;
	v17 =	vld.idx.msk [tilespmem:v17+s16+$0x0], $0xffff  }
0x4a: {  	s12 =	simm.s32 $0x6;
	v23 =	vor.u32 s7, v15;
	v14 =	vshll.u32 v16, $0x7;
	v18 =	vadd.f32 $9.999999770e-03, v18  }
0x4b: {  	v31 =	vadd.s32 s6, v1;
	v34 =	vor.u32 s12, v1;
	v19 =	vld.idx.msk [tilespmem:v19+s16+$0x0], $0xffff;
	v29 =	vor.u32 s8, v14  }
0x4c: {  	v24 =	vor.u32 s12, v15;
	v20 =	vadd.f32 $9.999999770e-03, v20;
	v18 =	vadd.f32 v18, v22  }
0x4d: {  	s15 =	simm.s32 $0x7;
	v35 =	vor.u32 s10, v1;
	v38 =	vadd.s32 s7, v1;
	v21 =	vld.idx.msk [tilespmem:v21+s16+$0x0], $0xffff;
	v33 =	vor.u32 s6, v14  }
0x4e: {  	v25 =	vor.u32 s15, v15;
	v17 =	vadd.f32 $9.999999770e-03, v17;
	v20 =	vadd.f32 v20, v18  }
0x4f: {  	v36 =	vor.u32 s10, v2;
	v54 =	vor.u32 s1, v2;
	v23 =	vld.idx.msk [tilespmem:v23+s16+$0x0], $0xffff;
	[tilespmem:v27+s24+$0x0] =	vst.idx.msk $0xffff, v18;
	v18 =	vor.u32 s10, v14  }
0x50: {  	v19 =	vadd.f32 $9.999999770e-03, v19;
	v27 =	vadd.s32 s3, v1;
	v29 =	vld.idx.msk [tilespmem:v29+s16+$0x0], $0xffff;
	v17 =	vadd.f32 v17, v20  }
0x51: {  	v52 =	vadd.s32 s3, v2;
	v55 =	vadd.s32 s7, v2;
	v24 =	vld.idx.msk [tilespmem:v24+s16+$0x0], $0xffff;
	[tilespmem:v31+s24+$0x0] =	vst.idx.msk $0xffff, v20;
	v20 =	vor.u32 s3, v14  }
0x52: {  	s2 =	simm.s32 $0x9;
	v44 =	vor.u32 s12, v2;
	v21 =	vadd.f32 $9.999999770e-03, v21;
	v33 =	vld.idx.msk [tilespmem:v33+s16+$0x0], $0xffff;
	v19 =	vadd.f32 v19, v17  }
0x53: {  	s13 =	simm.s32 $0xA;
	v59 =	vadd.s32 s2, v1;
	v39 =	vor.u32 s2, v15;
	v31 =	vor.u32 s1, v14;
	[tilespmem:v35+s24+$0x0] =	vst.idx.msk $0xffff, v17;
	v17 =	vld.idx.msk [tilespmem:v25+s16+$0x0], $0xffff  }
0x54: {  	s11 =	simm.s32 $0xC;
	v40 =	vor.u32 s13, v15;
	v23 =	vadd.f32 $9.999999770e-03, v23;
	v18 =	vld.idx.msk [tilespmem:v18+s16+$0x0], $0xffff;
	v21 =	vadd.f32 v21, v19  }
0x55: {  	s28 =	simm.s32 $0x8;
	v41 =	vor.u32 s11, v15;
	v37 =	vor.u32 s7, v14;
	[tilespmem:v27+s24+$0x0] =	vst.idx.msk $0xffff, v19;
	v27 =	vadd.f32 $9.999999770e-03, v29  }
0x56: {  	v24 =	vadd.f32 $9.999999770e-03, v24;
	v29 =	vor.u32 s28, v15;
	v20 =	vld.idx.msk [tilespmem:v20+s16+$0x0], $0xffff;
	v23 =	vadd.f32 v23, v21  }
0x57: {  	v32 =	vor.u32 s12, v14;
	[tilespmem:v26+s24+$0x0] =	vst.idx.msk $0xffff, v21;
	v21 =	vadd.f32 v27, v22;
	v22 =	vadd.f32 $9.999999770e-03, v33  }
0x58: {  	s14 =	simm.s32 $0xD;
	v27 =	vadd.s32 s15, v1;
	v26 =	vld.idx.msk [tilespmem:v31+s16+$0x0], $0xffff;
	v17 =	vadd.f32 $9.999999770e-03, v17;
	v24 =	vadd.f32 v24, v23  }
0x59: {  	s30 =	simm.s32 $0xE;
	v42 =	vor.u32 s14, v15;
	v31 =	vld.idx.msk [tilespmem:v39+s16+$0x0], $0xffff;
	[tilespmem:v38+s24+$0x0] =	vst.idx.msk $0xffff, v23;
	v22 =	vadd.f32 v22, v21;
	v23 =	vadd.f32 $9.999999770e-03, v18  }
0x5a: {  	v43 =	vor.u32 s30, v15;
	v50 =	vor.u32 s15, v14;
	s10 =	simm.s32 $0xB;
	v51 =	vld.idx.msk [tilespmem:v37+s16+$0x0], $0xffff;
	v53 =	vadd.f32 v17, v24  }
0x5b: {  	s0 =	simm.s32 $0xF;
	v25 =	vor.u32 s10, v15;
	v29 =	vld.idx.msk [tilespmem:v29+s16+$0x0], $0xffff;
	[tilespmem:v34+s24+$0x0] =	vst.idx.msk $0xffff, v24;
	v24 =	vadd.f32 v23, v22;
	v17 =	vadd.f32 $9.999999770e-03, v20  }
0x5c: {  	v56 =	vor.u32 s28, v1;
	v57 =	vor.u32 s28, v14;
	v19 =	vor.u32 s0, v15;
	[tilespmem:v30+s24+$0x0] =	vst.idx.msk $0xffff, v22;
	v32 =	vld.idx.msk [tilespmem:v32+s16+$0x0], $0xffff  }
0x5d: {  	v18 =	vor.u32 s11, v1;
	v30 =	vld.idx.msk [tilespmem:v40+s16+$0x0], $0xffff;
	[tilespmem:v27+s24+$0x0] =	vst.idx.msk $0xffff, v53;
	v27 =	vadd.f32 v17, v24;
	v26 =	vadd.f32 $9.999999770e-03, v26  }
0x5e: {  	[tilespmem:v28+s24+$0x0] =	vst.idx.msk $0xffff, v21;
	v21 =	vadd.s32 s2, v2;
	v23 =	vadd.s32 s15, v2;
	v20 =	vor.u32 s28, v2  }
0x5f: {  	v22 =	vor.u32 s30, v14;
	v28 =	vld.idx.msk [tilespmem:v50+s16+$0x0], $0xffff;
	v26 =	vadd.f32 v26, v27;
	v35 =	vadd.f32 $9.999999770e-03, v51  }
0x60: {  	v58 =	vld.idx.msk [tilespmem:v25+s16+$0x0], $0xffff;
	v34 =	vor.u32 s10, v14;
	v31 =	vadd.f32 $9.999999770e-03, v31;
	[tilespmem:v36+s24+$0x0] =	vst.idx.msk $0xffff, v24;
	v24 =	vadd.f32 $9.999999770e-03, v29  }
0x61: {  	v17 =	vor.u32 s13, v2;
	[tilespmem:v52+s24+$0x0] =	vst.idx.msk $0xffff, v27;
	v25 =	vadd.f32 v35, v26;
	v27 =	vadd.f32 $9.999999770e-03, v32  }
0x62: {  	v29 =	vor.u32 s13, v1;
	v63 =	vadd.f32 $9.999999770e-03, v30;
	[tilespmem:v54+s24+$0x0] =	vst.idx.msk $0xffff, v26;
	v26 =	vadd.f32 v24, v53  }
0x63: {  	v30 =	vor.u32 s13, v14;
	v35 =	vor.u32 s2, v14;
	v32 =	vld.idx.msk [tilespmem:v41+s16+$0x0], $0xffff;
	[tilespmem:v55+s24+$0x0] =	vst.idx.msk $0xffff, v25;
	v60 =	vadd.f32 v27, v25  }
0x64: {  	v33 =	vld.idx.msk [tilespmem:v43+s16+$0x0], $0xffff;
	v24 =	vor.u32 s30, v1;
	v61 =	vadd.f32 $9.999999770e-03, v28;
	[tilespmem:v56+s24+$0x0] =	vst.idx.msk $0xffff, v26;
	v62 =	vadd.f32 v31, v26  }
0x65: {  	v37 =	vadd.f32 $9.999999770e-03, v58;
	v28 =	vld.idx.msk [tilespmem:v42+s16+$0x0], $0xffff;
	v31 =	vadd.s32 s10, v1;
	v25 =	vor.u32 s14, v14;
	[tilespmem:v44+s24+$0x0] =	vst.idx.msk $0xffff, v60  }
0x66: {  	s6 =	simm.s32 $0x10;
	v27 =	vld.idx.msk [tilespmem:v57+s16+$0x0], $0xffff;
	v26 =	vadd.f32 v61, v60;
	[tilespmem:v59+s24+$0x0] =	vst.idx.msk $0xffff, v62;
	v36 =	vadd.f32 v63, v62  }
.LBB2_4:
0x67: {  	s7 =	sadd.s32 $0x1, s6  }
0x68: {  	s3 =	sadd.s32 $0x2, s6;
	v35 =	vld.idx.msk [tilespmem:v35+s16+$0x0], $0xffff;
	v32 =	vadd.f32 $9.999999770e-03, v32;
	v38 =	vor.u32 s11, v14;
	v39 =	vadd.s32 s14, v1;
	[tilespmem:v23+s24+$0x0] =	vst.idx.msk $0xffff, v26;
	s12 =	smov.u32 s6;
	s1 =	sadd.s32 $0x8, s6  }
0x69: {  	v23 =	vor.u32 s7, v15;
	v40 =	vor.u32 s3, v15;
	s13 =	sadd.s32 $0x3, s12;
	s15 =	sadd.s32 $0x4, s12;
	s28 =	sadd.s32 $0x5, s12;
	[tilespmem:v29+s24+$0x0] =	vst.idx.msk $0xffff, v36;
	v29 =	vadd.f32 v37, v36;
	v36 =	vld.idx.msk [tilespmem:v19+s16+$0x0], $0xffff  }
0x6a: {  	p0 =	slt.u32 s6, $0x38;
	s2 =	sadd.s32 $0x6, s12;
	v37 =	vor.u32 s13, v15;
	v41 =	vor.u32 s15, v15;
	v42 =	vor.u32 s28, v15;
	v30 =	vld.idx.msk [tilespmem:v30+s16+$0x0], $0xffff  }
0x6b: {  	s6 =	sadd.s32 $0x7, s12;
	v43 =	vor.u32 s2, v15;
	v28 =	vadd.f32 $9.999999770e-03, v28;
	[tilespmem:v31+s24+$0x0] =	vst.idx.msk $0xffff, v29;
	v29 =	vadd.f32 v32, v29  }
0x6c: {  	v19 =	vor.u32 s6, v15;
	v31 =	vor.u32 s12, v15;
	v27 =	vadd.f32 $9.999999770e-03, v27;
	v32 =	vld.idx.msk [tilespmem:v34+s16+$0x0], $0xffff  }
0x6d: {  	[tilespmem:v18+s24+$0x0] =	vst.idx.msk $0xffff, v29;
	v18 =	vor.u32 s15, v1;
	v28 =	vadd.f32 v28, v29;
	v29 =	vadd.f32 $9.999999770e-03, v33  }
0x6e: {  	v34 =	vadd.s32 s0, v1;
	v26 =	vadd.f32 v27, v26;
	v27 =	vadd.f32 $9.999999770e-03, v35;
	v33 =	vld.idx.msk [tilespmem:v38+s16+$0x0], $0xffff  }
0x6f: {  	v35 =	vld.idx.msk [tilespmem:v23+s16+$0x0], $0xffff;
	[tilespmem:v39+s24+$0x0] =	vst.idx.msk $0xffff, v28;
	v23 =	vadd.f32 v29, v28;
	v28 =	vadd.f32 $9.999999770e-03, v36;
	v29 =	vor.u32 s0, v14  }
0x70: {  	[tilespmem:v20+s24+$0x0] =	vst.idx.msk $0xffff, v26;
	v20 =	vadd.f32 v27, v26;
	v26 =	vadd.f32 $9.999999770e-03, v30;
	v25 =	vld.idx.msk [tilespmem:v25+s16+$0x0], $0xffff  }
0x71: {  	v30 =	vadd.s32 s10, v2;
	s10 =	smov.u32 s13;
	v27 =	vld.idx.msk [tilespmem:v31+s16+$0x0], $0xffff;
	[tilespmem:v24+s24+$0x0] =	vst.idx.msk $0xffff, v23;
	v24 =	vadd.f32 v28, v23  }
0x72: {  	v23 =	vadd.s32 s0, v2;
	s0 =	smov.u32 s6;
	[tilespmem:v21+s24+$0x0] =	vst.idx.msk $0xffff, v20;
	v21 =	vadd.f32 v26, v20;
	v26 =	vadd.f32 $9.999999770e-03, v32;
	v28 =	vld.idx.msk [tilespmem:v22+s16+$0x0], $0xffff  }
0x73: {  	v38 =	vor.u32 s30, v2;
	s30 =	smov.u32 s2;
	v36 =	vadd.s32 s14, v2;
	s14 =	smov.u32 s28;
	v31 =	vor.u32 s11, v2;
	s11 =	smov.u32 s15;
	[tilespmem:v34+s24+$0x0] =	vst.idx.msk $0xffff, v24  }
0x74: {  	v20 =	vor.u32 s12, v2;
	[tilespmem:v17+s24+$0x0] =	vst.idx.msk $0xffff, v21;
	v22 =	vadd.f32 v26, v21;
	v26 =	vadd.f32 $9.999999770e-03, v33;
	v33 =	vld.idx.msk [tilespmem:v29+s16+$0x0], $0xffff  }
0x75: {  	v34 =	vadd.f32 $9.999999770e-03, v35;
	v21 =	vadd.s32 s7, v2;
	v17 =	vor.u32 s3, v2;
	v39 =	vld.idx.msk [tilespmem:v40+s16+$0x0], $0xffff  }
0x76: {  	v40 =	vor.u32 s12, v1;
	v25 =	vadd.f32 $9.999999770e-03, v25;
	[tilespmem:v30+s24+$0x0] =	vst.idx.msk $0xffff, v22;
	v26 =	vadd.f32 v26, v22  }
0x77: {  	v44 =	vor.u32 s12, v14;
	v27 =	vadd.f32 $9.999999770e-03, v27;
	v22 =	vor.u32 s30, v14;
	v37 =	vld.idx.msk [tilespmem:v37+s16+$0x0], $0xffff  }
0x78: {  	v45 =	vadd.s32 s7, v1;
	v32 =	vld.idx.msk [tilespmem:v41+s16+$0x0], $0xffff;
	[tilespmem:v31+s24+$0x0] =	vst.idx.msk $0xffff, v26;
	v25 =	vadd.f32 v25, v26;
	v26 =	vadd.f32 $9.999999770e-03, v28  }
.Ltmp0:
0x79: {  	v35 =	vor.u32 s7, v14;
	v27 =	vadd.f32 v27, v24;
	v24 =	vor.u32 s30, v1;
	(pc) =	sbr.rel @p0 .LBB2_4-.Ltmp0, $4  }
0x7a: {  	v29 =	vor.u32 s3, v1;
	v33 =	vadd.f32 $9.999999770e-03, v33;
	[tilespmem:v36+s24+$0x0] =	vst.idx.msk $0xffff, v25;
	v26 =	vadd.f32 v26, v25  }
0x7b: {  	v30 =	vor.u32 s3, v14;
	v34 =	vadd.f32 v34, v27;
	v36 =	vadd.f32 $9.999999770e-03, v39;
	[tilespmem:v40+s24+$0x0] =	vst.idx.msk $0xffff, v27;
	v28 =	vld.idx.msk [tilespmem:v42+s16+$0x0], $0xffff  }
0x7c: {  	v31 =	vadd.s32 s10, v1;
	v25 =	vor.u32 s14, v14;
	v27 =	vld.idx.msk [tilespmem:v44+s16+$0x0], $0xffff;
	[tilespmem:v38+s24+$0x0] =	vst.idx.msk $0xffff, v26;
	v26 =	vadd.f32 v33, v26  }
0x7d: {  	s6 =	smov.u32 s1;
	v36 =	vadd.f32 v36, v34;
	v37 =	vadd.f32 $9.999999770e-03, v37;
	[tilespmem:v45+s24+$0x0] =	vst.idx.msk $0xffff, v34;
	v34 =	vor.u32 s10, v14;
	v33 =	vld.idx.msk [tilespmem:v43+s16+$0x0], $0xffff  }
0x7e: {  	_ =	sdelay $0x3  }
0x7f: {  	v35 =	vld.idx.msk [tilespmem:v35+s16+$0x0], $0xffff;
	v32 =	vadd.f32 $9.999999770e-03, v32;
	v37 =	vadd.f32 v37, v36  }
0x80: {  	v38 =	vor.u32 s11, v14;
	v19 =	vld.idx.msk [tilespmem:v19+s16+$0x0], $0xffff;
	[tilespmem:v29+s24+$0x0] =	vst.idx.msk $0xffff, v36  }
0x81: {  	v29 =	vadd.s32 s14, v1;
	v30 =	vld.idx.msk [tilespmem:v30+s16+$0x0], $0xffff;
	v28 =	vadd.f32 $9.999999770e-03, v28;
	v32 =	vadd.f32 v32, v37  }
0x82: {  	[tilespmem:v31+s24+$0x0] =	vst.idx.msk $0xffff, v37;
	v27 =	vadd.f32 $9.999999770e-03, v27  }
0x83: {  	v31 =	vld.idx.msk [tilespmem:v34+s16+$0x0], $0xffff;
	v33 =	vadd.f32 $9.999999770e-03, v33;
	v28 =	vadd.f32 v28, v32  }
0x84: {  	[tilespmem:v18+s24+$0x0] =	vst.idx.msk $0xffff, v32;
	v18 =	vadd.f32 v27, v26;
	v27 =	vadd.f32 $9.999999770e-03, v35  }
0x85: {  	v56 =	vadd.s32 s0, v1;
	v19 =	vadd.f32 $9.999999770e-03, v19;
	v32 =	vld.idx.msk [tilespmem:v38+s16+$0x0], $0xffff;
	v33 =	vadd.f32 v33, v28  }
0x86: {  	[tilespmem:v29+s24+$0x0] =	vst.idx.msk $0xffff, v28;
	v28 =	vor.u32 s0, v14;
	v27 =	vadd.f32 v27, v18;
	v29 =	vadd.f32 $9.999999770e-03, v30  }
0x87: {  	v25 =	vld.idx.msk [tilespmem:v25+s16+$0x0], $0xffff;
	v19 =	vadd.f32 v19, v33  }
0x88: {  	[tilespmem:v24+s24+$0x0] =	vst.idx.msk $0xffff, v33;
	v24 =	vadd.f32 v29, v27;
	v29 =	vadd.f32 $9.999999770e-03, v31  }
0x89: {  	v22 =	vld.idx.msk [tilespmem:v22+s16+$0x0], $0xffff  }
0x8a: {  	[tilespmem:v56+s24+$0x0] =	vst.idx.msk $0xffff, v19;
	v29 =	vadd.f32 v29, v24;
	v30 =	vadd.f32 $9.999999770e-03, v32  }
0x8b: {  	v31 =	vadd.s32 s10, v2;
	v28 =	vld.idx.msk [tilespmem:v28+s16+$0x0], $0xffff  }
0x8c: {  	[tilespmem:v23+s24+$0x0] =	vst.idx.msk $0xffff, v26;
	v23 =	vor.u32 s11, v2;
	v26 =	vadd.f32 v30, v29;
	v25 =	vadd.f32 $9.999999770e-03, v25  }
0x8d: {  	[tilespmem:v20+s24+$0x0] =	vst.idx.msk $0xffff, v18;
	v18 =	vadd.s32 s14, v2  }
0x8e: {  	v20 =	vor.u32 s30, v2;
	[tilespmem:v21+s24+$0x0] =	vst.idx.msk $0xffff, v27;
	v21 =	vadd.f32 v25, v26;
	v22 =	vadd.f32 $9.999999770e-03, v22  }
0x8f: {  	[tilespmem:v17+s24+$0x0] =	vst.idx.msk $0xffff, v24;
	v25 =	vadd.s32 s0, v2  }
0x90: {  	[tilespmem:v31+s24+$0x0] =	vst.idx.msk $0xffff, v29;
	v17 =	vadd.f32 v22, v21;
	v22 =	vadd.f32 $9.999999770e-03, v28  }
0x91: {  	v29 =	vimm.s32 $0x0;
	[tilespmem:v23+s24+$0x0] =	vst.idx.msk $0xffff, v26  }
0x92: {  	[tilespmem:v18+s24+$0x0] =	vst.idx.msk $0xffff, v21;
	v21 =	vadd.s32 v1, v29;
	v18 =	vadd.f32 v22, v17  }
0x93: {  	[tilespmem:v20+s24+$0x0] =	vst.idx.msk $0xffff, v17  }
0x94: {  	[tilespmem:v25+s24+$0x0] =	vst.idx.msk $0xffff, v18  }
0x95: {  	[tilespmem:v3+s24+$0x0] =	vst.idx.msk $0xffff, v4  }
0x96: {  	[tilespmem:v5+s24+$0x0] =	vst.idx.msk $0xffff, v4  }
0x97: {  	v22 =	vld.idx.msk [tilespmem:v21+s24+$0x0], $0xffff;
	_ =	sdelay $0x3  }
0x98: {  	v30 =	vimm.f32 $0.0e+00;
	v17 =	vadd.s32 $0x1, v29  }
0x99: {  	vm0 =	vlt.s32 v17, $0x40;
	v21 =	vsub.f32 v22, v30  }
0x9a: {  	v20 =	vmul.f32 $1.538461540e-02, v19;
	v17 =	vnsel vm0, $0x40, v17  }
0x9b: {  	v23 =	vand.u32 $0xFFFFFF80, v17;
	v24 =	vand.u32 $0x7F, v17;
	(erf) = vrcp.f32 v21  }
0x9c: {  	v17 =	vadd.s32 v15, v23;
	v21 =	vmul.f32 $7.692307700e-03, v19;
	v19 =	vmul.f32 v30, v20  }
0x9d: {  	v17 =	vor.u32 v24, v17  }
0x9e: {  	v19 =	vadd.f32 v19, v21;
	_ =	sdelay $0x1  }
0x9f: {  	vm0 =	vle.f32 v22, v19  }
0xa0: {  	vm0 =	vmmov vm0  }
0xa1: {  	v26 =	vld.idx.msk [tilespmem:v17+s4+$0x0], $0xffff;
	v17 =	vsub.f32 v19, v30;
	v19 =	vsel vm0, $0x1, v8  }
0xa2: {  	v25 =	vld.idx.msk [tilespmem:v15+s4+$0x0], $0xffff  }
0xa3: {  	v28 =	vshll.u32 v29, $0x3  }
0xa4: {  	v27 =	vand.u32 $0x7F, v29;
	v28 =	vand.u32 $0xFFFFFC00, v28;
	v31 =	vadd.s32 v19, v29;
	v19 =	vpop (erf)  }
0xa5: {  	v58 =	vor.u32 v27, v28;
	v19 =	vmul.f32 v19, v17  }
0xa6: {  	v59 =	vadd.s32 v2, v29;
	v28 =	vadd.s32 v7, v58;
	v57 =	vadd.s32 v1, v31  }
0xa7: {  	v27 =	vsub.f32 v26, v25;
	vm1 =	vmneg vm0;
	v19 =	vmax.f32 v19, $0.0e+00  }
0xa8: {  	v61 =	vsel vm0, v22, v30;
	v22 =	vsel vm0, $0x0, v6;
	v19 =	vmin.f32 v19, $1.000000000e+00  }
0xa9: {  	v23 =	vadd.s32 v14, v23;
	v63 =	vadd.f32 v22, v30;
	v19 =	vmul.f32 v19, v27  }
0xaa: {  	v23 =	vor.u32 v24, v23;
	v26 =	vsel vm0, v26, v25;
	v39 =	vsel vm1, $0x1, v8  }
0xab: {  	v60 =	vadd.s32 $0x1, v31;
	v50 =	vmul.f32 v63, v20;
	v27 =	vld.idx.msk [tilespmem:v57+s24+$0x0], $0xffff;
	v22 =	vadd.f32 v19, v25  }
0xac: {  	v40 =	vadd.s32 v39, v29;
	v17 =	vmul.f32 $7.692307700e-03, v18;
	v18 =	vmul.f32 $1.538461540e-02, v18  }
0xad: {  	vm2 =	vlt.s32 v60, $0x40;
	v39 =	vadd.f32 v50, v21;
	v19 =	vld.idx.msk [tilespmem:v14+s4+$0x0], $0xffff;
	[tilespmem:v28+s25+$0x0] =	vst.idx.msk vm1, v22  }
0xae: {  	v51 =	vshll.u32 v40, $0x3;
	v62 =	vnsel vm2, $0x40, v60;
	v48 =	vmul.f32 v30, v18;
	v34 =	vld.idx.msk [tilespmem:v59+s24+$0x0], $0xffff  }
0xaf: {  	v49 =	vand.u32 $0xFFFFFF80, v62;
	v32 =	vand.u32 $0x7F, v62;
	v36 =	vsub.f32 v39, v61  }
0xb0: {  	v37 =	vadd.f32 v48, v17;
	v22 =	vadd.s32 v15, v49;
	v41 =	vsub.f32 v27, v61  }
0xb1: {  	v28 =	vand.u32 $0x7F, v40;
	v32 =	vor.u32 v32, v22;
	vm1 =	vle.f32 v27, v39;
	v23 =	vld.idx.msk [tilespmem:v23+s4+$0x0], $0xffff  }
0xb2: {  	v22 =	vand.u32 $0xFFFFFC00, v51;
	vm2 =	vmmov vm1;
	(erf) = vrcp.f32 v41  }
0xb3: {  	v38 =	vor.u32 v28, v22;
	vm4 =	vmneg vm2;
	v22 =	vsub.f32 v34, v30  }
0xb4: {  	v28 =	vsel vm2, v27, v61;
	v38 =	vadd.s32 v7, v38;
	v48 =	vsel vm4, $0x1, v8  }
0xb5: {  	v59 =	vsel vm2, $0x0, v6;
	v35 =	vadd.s32 v48, v40;
	(erf) = vrcp.f32 v22  }
0xb6: {  	vm0 =	vle.f32 v34, v37;
	v37 =	vsub.f32 v37, v30;
	v42 =	vsub.f32 v23, v19  }
0xb7: {  	v62 =	vand.u32 $0x7F, v35;
	v24 =	vsel vm0, $0x1, v8;
	v52 =	vsel vm0, $0x0, v6  }
0xb8: {  	v25 =	vsel vm0, v34, v30;
	v27 =	vadd.s32 v24, v29;
	v24 =	vadd.f32 v52, v30  }
0xb9: {  	v32 =	vld.idx.msk [tilespmem:v32+s4+$0x0], $0xffff;
	v22 =	vadd.s32 v9, v58;
	v30 =	vsel vm2, $0x1, v8;
	v53 =	vadd.s32 $0x1, v27  }
0xba: {  	v54 =	vadd.s32 v2, v27;
	v30 =	vadd.s32 v30, v31;
	vm1 =	vlt.s32 v53, $0x40  }
0xbb: {  	v56 =	vadd.s32 $0x1, v30;
	v43 =	vadd.s32 v1, v30;
	v34 =	vnsel vm1, $0x40, v53;
	v55 =	vpop (erf)  }
0xbc: {  	v45 =	vand.u32 $0x7F, v34;
	v31 =	vand.u32 $0xFFFFFF80, v34;
	v34 =	vmul.f32 v55, v36  }
0xbd: {  	v33 =	vmul.f32 v24, v18;
	vm1 =	vmneg vm0;
	vm3 =	vlt.s32 v56, $0x40  }
0xbe: {  	v44 =	vsub.f32 v32, v26;
	v57 =	vsel vm1, $0x1, v8;
	v34 =	vmax.f32 v34, $0.0e+00;
	v58 =	vpop (erf)  }
0xbf: {  	v39 =	vnsel vm3, $0x40, v56;
	v34 =	vmin.f32 v34, $1.000000000e+00;
	v37 =	vmul.f32 v58, v37  }
0xc0: {  	v46 =	vand.u32 $0xFFFFFF80, v39;
	v44 =	vmul.f32 v34, v44;
	v34 =	vadd.f32 v59, v63  }
0xc1: {  	v47 =	vand.u32 $0x7F, v39;
	v29 =	vadd.s32 v57, v29;
	v39 =	vld.idx.msk [tilespmem:v43+s24+$0x0], $0xffff;
	v37 =	vmax.f32 v37, $0.0e+00  }
0xc2: {  	v60 =	vadd.f32 v44, v26;
	v61 =	vmul.f32 v34, v20;
	v37 =	vmin.f32 v37, $1.000000000e+00  }
0xc3: {  	v31 =	vadd.s32 v14, v31;
	v46 =	vadd.s32 v15, v46;
	v37 =	vmul.f32 v37, v42  }
0xc4: {  	v48 =	vshll.u32 v35, $0x3;
	v41 =	vor.u32 v45, v31;
	[tilespmem:v38+s25+$0x0] =	vst.idx.msk vm4, v60;
	v38 =	vadd.f32 v61, v21  }
0xc5: {  	v36 =	vmovc v28;
	v43 =	vor.u32 v47, v46;
	v63 =	vand.u32 $0xFFFFFC00, v48;
	v42 =	vld.idx.msk [tilespmem:v54+s24+$0x0], $0xffff;
	v37 =	vadd.f32 v37, v19  }
0xc6: {  	s0 =	simm.s32 $0x7F;
	v31 =	vmovc v25;
	v40 =	vor.u32 v62, v63;
	v44 =	vsub.f32 v39, v28;
	vm4 =	vle.f32 v39, v38  }
.LBB2_6:
0xc7: {  	p0 =	sne.s32 s0, $0x1;
	s0 =	sadd.s32 $0xFFFFFFFF, s0;
	v45 =	vand.u32 $0x7F, v29;
	v46 =	vshll.u32 v29, $0x3;
	[tilespmem:v22+s25+$0x0] =	vst.idx.msk vm1, v37;
	v19 =	vsel vm0, v23, v19  }
0xc8: {  	v37 =	vadd.f32 v33, v17;
	(erf) = vrcp.f32 v44;
	v22 =	vand.u32 $0xFFFFFC00, v46  }
0xc9: {  	v26 =	vsel vm2, v32, v26;
	vm2 =	vmmov vm4;
	v22 =	vor.u32 v45, v22  }
0xca: {  	v28 =	vsel vm2, v39, v28;
	vm0 =	vle.f32 v42, v37;
	v32 =	vsub.f32 v42, v25  }
0xcb: {  	v33 =	vsel vm0, $0x1, v8;
	v25 =	vsel vm0, v42, v25;
	v39 =	vsel vm0, $0x0, v6;
	v23 =	vld.idx.msk [tilespmem:v41+s4+$0x0], $0xffff  }
0xcc: {  	v27 =	vadd.s32 v33, v27;
	v24 =	vadd.f32 v39, v24;
	(erf) = vrcp.f32 v32  }
0xcd: {  	v22 =	vadd.s32 v9, v22;
	v39 =	vadd.s32 $0x1, v27;
	v41 =	vadd.s32 v2, v27  }
0xce: {  	v40 =	vadd.s32 v7, v40;
	v33 =	vmul.f32 v24, v18;
	vm1 =	vlt.s32 v39, $0x40;
	v32 =	vld.idx.msk [tilespmem:v43+s4+$0x0], $0xffff  }
0xcf: {  	v37 =	vsub.f32 v37, v31;
	v31 =	vmovc v25;
	v43 =	vnsel vm1, $0x40, v39;
	vm1 =	vmneg vm0  }
0xd0: {  	v38 =	vsub.f32 v38, v36;
	v36 =	vmovc v28;
	v42 =	vsel vm2, $0x1, v8;
	v45 =	vand.u32 $0x7F, v43  }
0xd1: {  	v30 =	vadd.s32 v42, v30;
	v44 =	vand.u32 $0xFFFFFF80, v43;
	v42 =	vsub.f32 v23, v19;
	v39 =	vpop (erf)  }
0xd2: {  	v46 =	vadd.s32 v1, v30;
	v43 =	vadd.s32 $0x1, v30;
	v38 =	vmul.f32 v39, v38  }
0xd3: {  	vm4 =	vmneg vm2;
	v47 =	vsel vm1, $0x1, v8;
	vm3 =	vlt.s32 v43, $0x40  }
0xd4: {  	v50 =	vnsel vm3, $0x40, v43;
	v43 =	vsub.f32 v32, v26;
	v38 =	vmax.f32 v38, $0.0e+00  }
0xd5: {  	v48 =	vand.u32 $0xFFFFFF80, v50;
	v49 =	vand.u32 $0x7F, v50;
	v38 =	vmin.f32 v38, $1.000000000e+00;
	v39 =	vpop (erf)  }
0xd6: {  	v38 =	vmul.f32 v38, v43;
	v43 =	vsel vm2, $0x0, v6;
	v37 =	vmul.f32 v39, v37  }
0xd7: {  	v39 =	vld.idx.msk [tilespmem:v46+s24+$0x0], $0xffff;
	v46 =	vadd.s32 v15, v48;
	v48 =	vsel vm4, $0x1, v8;
	v34 =	vadd.f32 v43, v34  }
0xd8: {  	v38 =	vadd.f32 v38, v26;
	v35 =	vadd.s32 v48, v35;
	v37 =	vmax.f32 v37, $0.0e+00  }
.Ltmp1:
0xd9: {  	v43 =	vmul.f32 v34, v20;
	v48 =	vand.u32 $0x7F, v35;
	v37 =	vmin.f32 v37, $1.000000000e+00;
	(pc) =	sbr.rel @p0 .LBB2_6-.Ltmp1, $4  }
0xda: {  	v29 =	vadd.s32 v47, v29;
	v50 =	vshll.u32 v35, $0x3;
	[tilespmem:v40+s25+$0x0] =	vst.idx.msk vm4, v38;
	v37 =	vmul.f32 v37, v42  }
0xdb: {  	v40 =	vand.u32 $0xFFFFFC00, v50;
	v38 =	vadd.f32 v43, v21;
	v43 =	vor.u32 v49, v46;
	v42 =	vld.idx.msk [tilespmem:v41+s24+$0x0], $0xffff  }
0xdc: {  	v40 =	vor.u32 v48, v40;
	v41 =	vadd.s32 v14, v44;
	v37 =	vadd.f32 v37, v19  }
0xdd: {  	v44 =	vsub.f32 v39, v28;
	v41 =	vor.u32 v45, v41;
	vm4 =	vle.f32 v39, v38  }
0xde: {  	_ = 	snop  }
0xdf: {  	(erf) = vrcp.f32 v44;
	_ =	sdelay $0x6  }
0xe0: {  	v20 =	vld.idx.msk [tilespmem:v43+s4+$0x0], $0xffff  }
0xe1: {  	v28 =	vsub.f32 v38, v36  }
0xe2: {  	v21 =	vadd.f32 v33, v17;
	v30 =	vpop (erf)  }
0xe3: {  	vm10 =	vmmov vm4;
	v28 =	vmul.f32 v30, v28  }
0xe4: {  	v26 =	vsel vm2, v32, v26;
	vm2 =	vmneg vm10;
	vm3 =	vle.f32 v42, v21  }
0xe5: {  	v20 =	vsub.f32 v20, v26;
	v30 =	vsel vm3, $0x1, v8;
	v28 =	vmax.f32 v28, $0.0e+00  }
0xe6: {  	v27 =	vadd.s32 v30, v27;
	v30 =	vadd.s32 v7, v40;
	v28 =	vmin.f32 v28, $1.000000000e+00  }
0xe7: {  	v36 =	vadd.s32 v2, v27;
	v20 =	vmul.f32 v28, v20;
	_ =	sdelay $0x1  }
0xe8: {  	v20 =	vadd.f32 v20, v26;
	_ =	sdelay $0x1  }
0xe9: {  	[tilespmem:v30+s25+$0x0] =	vst.idx.msk vm2, v20  }
0xea: {  	v20 =	vld.idx.msk [tilespmem:v36+s24+$0x0], $0xffff  }
0xeb: {  	v26 =	vsub.f32 v42, v25;
	_ =	sdelay $0x1  }
0xec: {  	(erf) = vrcp.f32 v26  }
0xed: {  	v25 =	vsel vm3, v42, v25;
	v26 =	vadd.s32 $0x1, v27  }
0xee: {  	vm11 =	vlt.s32 v26, $0x40;
	v27 =	vsub.f32 v20, v25  }
0xef: {  	v26 =	vnsel vm11, $0x40, v26  }
0xf0: {  	v28 =	vand.u32 $0xFFFFFF80, v26;
	(erf) = vrcp.f32 v27  }
0xf1: {  	v26 =	vand.u32 $0x7F, v26;
	v28 =	vadd.s32 v14, v28;
	v27 =	vsel vm3, $0x0, v6  }
0xf2: {  	v26 =	vor.u32 v26, v28;
	v24 =	vadd.f32 v27, v24;
	v27 =	vand.u32 $0x7F, v29  }
0xf3: {  	v30 =	vld.idx.msk [tilespmem:v41+s4+$0x0], $0xffff;
	v28 =	vshll.u32 v29, $0x3  }
0xf4: {  	v21 =	vsub.f32 v21, v31;
	v28 =	vand.u32 $0xFFFFFC00, v28;
	v18 =	vmul.f32 v24, v18  }
0xf5: {  	v24 =	vor.u32 v27, v28;
	v27 =	vpop (erf)  }
0xf6: {  	vm12 =	vmneg vm3;
	v21 =	vmul.f32 v27, v21;
	v17 =	vadd.f32 v18, v17  }
0xf7: {  	v18 =	vsel vm0, v23, v19;
	v19 =	vadd.s32 v9, v24;
	v23 =	vsel vm12, $0x1, v8;
	v24 =	vld.idx.msk [tilespmem:v26+s4+$0x0], $0xffff  }
0xf8: {  	v23 =	vadd.s32 v23, v29;
	v26 =	vsub.f32 v30, v18;
	v25 =	vsub.f32 v17, v25  }
0xf9: {  	v21 =	vmax.f32 v21, $0.0e+00;
	v27 =	vshll.u32 v23, $0x3;
	v23 =	vand.u32 $0x7F, v23;
	v28 =	vpop (erf)  }
0xfa: {  	vm13 =	vle.f32 v20, v17;
	v21 =	vmin.f32 v21, $1.000000000e+00;
	v25 =	vmul.f32 v28, v25  }
0xfb: {  	v27 =	vand.u32 $0xFFFFFC00, v27;
	vm0 =	vmneg vm13;
	v28 =	vsel vm3, v30, v18  }
0xfc: {  	v23 =	vor.u32 v23, v27;
	v17 =	vsub.f32 v24, v28;
	v20 =	vmax.f32 v25, $0.0e+00  }
0xfd: {  	v21 =	vmul.f32 v21, v26;
	v23 =	vadd.s32 v9, v23;
	v20 =	vmin.f32 v20, $1.000000000e+00  }
0xfe: {  	v17 =	vmul.f32 v20, v17  }
0xff: {  	v18 =	vadd.f32 v21, v18  }
0x100: {  	[tilespmem:v22+s25+$0x0] =	vst.idx.msk vm1, v37;
	v20 =	vor.u32 $0x40, v15;
	v17 =	vadd.f32 v17, v28  }
0x101: {  	[tilespmem:v19+s25+$0x0] =	vst.idx.msk vm12, v18  }
0x102: {  	[tilespmem:v23+s25+$0x0] =	vst.idx.msk vm0, v17  }
0x103: {  	v19 =	vld.idx.msk [tilespmem:v13+s17+$0x0], $0xffff  }
0x104: {  	s0 =	simm.s32 $0x0;
	v17 =	vld.idx.msk [tilespmem:v13+s18+$0x0], $0xffff  }
0x105: {  	v18 =	vld.idx.msk [tilespmem:v20+s0+$0x0], $0xffff  }
0x106: {  	v21 =	vld.idx.msk [tilespmem:v10+s25+$0x0], $0xffff;
	_ =	sdelay $0x2  }
0x107: {  	v13 =	vshll.u32 v13, $0x8  }
0x108: {  	v22 =	vand.u32 $0x6800, v13;
	v13 =	vor.u32 $0x400, v11;
	v20 =	vsub.f32 v17, v19  }
0x109: {  	v17 =	vmax.f32 v18, v21;
	v18 =	vor.u32 v13, v22  }
0x10a: {  	v21 =	vmul.f32 v17, v20  }
0x10b: {  	v23 =	vor.u32 $0x40, v14  }
0x10c: {  	v21 =	vadd.f32 v21, v19  }
0x10d: {  	v24 =	vld.idx.msk [tilespmem:v16+s18+$0x0], $0xffff  }
0x10e: {  	v17 =	vld.idx.msk [tilespmem:v16+s17+$0x0], $0xffff;
	[tilespmem:v18+s26+$0x0] =	vst.idx.msk $0xffff, v21  }
0x10f: {  	[tilespmem:v10+s25+$0x0] =	vst.idx.msk $0xffff, v4  }
0x110: {  	v21 =	vld.idx.msk [tilespmem:v23+s0+$0x0], $0xffff  }
0x111: {  	v23 =	vld.idx.msk [tilespmem:v12+s25+$0x0], $0xffff;
	_ =	sdelay $0x3  }
0x112: {  	v16 =	vshll.u32 v16, $0x8;
	v18 =	vsub.f32 v24, v17;
	v24 =	vimm.s32 $0x0  }
0x113: {  	v25 =	vand.u32 $0xFFFFFF80, v24;
	v21 =	vmax.f32 v21, v23;
	v23 =	vand.u32 $0x7FFFF800, v16  }
0x114: {  	v26 =	vshll.u32 v24, $0x3;
	v27 =	vand.u32 $0x7F, v24;
	v16 =	vor.u32 v13, v23  }
0x115: {  	v28 =	vadd.s32 v15, v25;
	v26 =	vand.u32 $0xFFFFFC00, v26;
	v21 =	vmul.f32 v21, v18  }
0x116: {  	v28 =	vor.u32 v27, v28;
	v26 =	vor.u32 v27, v26  }
0x117: {  	v29 =	vadd.s32 v7, v26;
	v21 =	vadd.f32 v21, v17;
	_ =	sdelay $0x1  }
0x118: {  	[tilespmem:v16+s26+$0x0] =	vst.idx.msk $0xffff, v21  }
0x119: {  	[tilespmem:v12+s25+$0x0] =	vst.idx.msk $0xffff, v4  }
0x11a: {  	v21 =	vld.idx.msk [tilespmem:v28+s4+$0x0], $0xffff  }
0x11b: {  	v28 =	vld.idx.msk [tilespmem:v29+s25+$0x0], $0xffff;
	_ =	sdelay $0x4  }
0x11c: {  	vm14 =	vlt.f32 v21, v28  }
0x11d: {  	vm15 =	vmneg vm14;
	v16 =	vsel vm14, $0x1, v8  }
0x11e: {  	v29 =	vadd.s32 v16, v24;
	v16 =	vsel vm15, $0x1, v8  }
0x11f: {  	v30 =	vadd.s32 v16, v24  }
0x120: {  	v16 =	vand.u32 $0xFFFFFF80, v29;
	v39 =	vand.u32 $0x7F, v29;
	v31 =	vshll.u32 v30, $0x3  }
0x121: {  	v16 =	vadd.s32 v15, v16;
	v38 =	vand.u32 $0x7F, v30;
	v31 =	vand.u32 $0xFFFFFC00, v31  }
0x122: {  	v33 =	vor.u32 v39, v16;
	v16 =	vor.u32 v38, v31  }
0x123: {  	v31 =	vadd.s32 v7, v16;
	_ =	sdelay $0x2  }
0x124: {  	v16 =	vor.u32 v11, v22  }
0x125: {  	v25 =	vadd.s32 v14, v25;
	v21 =	vmin.f32 v21, v28;
	v22 =	vor.u32 s0, v16;
	v28 =	vld.idx.msk [tilespmem:v33+s4+$0x0], $0xffff  }
0x126: {  	v25 =	vor.u32 v27, v25;
	v21 =	vmul.f32 v21, v20;
	v27 =	vld.idx.msk [tilespmem:v31+s25+$0x0], $0xffff  }
0x127: {  	v26 =	vadd.s32 v9, v26  }
0x128: {  	v21 =	vadd.f32 v21, v19;
	_ =	sdelay $0x1  }
0x129: {  	[tilespmem:v22+s26+$0x0] =	vst.idx.msk $0xffff, v21  }
0x12a: {  	v21 =	vld.idx.msk [tilespmem:v25+s4+$0x0], $0xffff;
	vm4 =	vlt.f32 v28, v27  }
0x12b: {  	v22 =	vld.idx.msk [tilespmem:v26+s25+$0x0], $0xffff;
	vm5 =	vmneg vm4  }
0x12c: {  	v25 =	vsel vm4, $0x1, v8;
	v26 =	vsel vm5, $0x1, v8  }
0x12d: {  	v25 =	vadd.s32 v25, v29;
	v26 =	vadd.s32 v26, v30  }
0x12e: {  	v29 =	vand.u32 $0xFFFFFF80, v25;
	v30 =	vand.u32 $0x7F, v25;
	v31 =	vshll.u32 v26, $0x3  }
0x12f: {  	v29 =	vadd.s32 v15, v29;
	v40 =	vand.u32 $0x7F, v26;
	v31 =	vand.u32 $0xFFFFFC00, v31  }
0x130: {  	vm6 =	vlt.f32 v21, v22;
	v29 =	vor.u32 v30, v29;
	v30 =	vor.u32 v40, v31  }
0x131: {  	vm7 =	vmneg vm6;
	v30 =	vadd.s32 v7, v30  }
0x132: {  	s1 =	simm.s32 $0x1;
	v27 =	vmin.f32 v28, v27;
	v28 =	vsel vm6, $0x1, v8;
	v31 =	vsel vm7, $0x1, v8  }
0x133: {  	v41 =	vor.u32 s1, v16;
	v28 =	vadd.s32 v28, v24;
	v24 =	vadd.s32 v31, v24  }
0x134: {  	v42 =	vand.u32 $0x7F, v28;
	v31 =	vand.u32 $0xFFFFFF80, v28;
	v34 =	vshll.u32 v24, $0x3  }
0x135: {  	v31 =	vadd.s32 v14, v31;
	v35 =	vand.u32 $0x7F, v24;
	v34 =	vand.u32 $0xFFFFFC00, v34;
	v29 =	vld.idx.msk [tilespmem:v29+s4+$0x0], $0xffff  }
0x136: {  	v27 =	vmul.f32 v27, v20;
	v31 =	vor.u32 v42, v31;
	v43 =	vor.u32 v35, v34;
	v30 =	vld.idx.msk [tilespmem:v30+s25+$0x0], $0xffff  }
0x137: {  	v33 =	vadd.s32 v9, v43  }
0x138: {  	v27 =	vadd.f32 v27, v19;
	_ =	sdelay $0x1  }
0x139: {  	[tilespmem:v41+s26+$0x0] =	vst.idx.msk $0xffff, v27  }
0x13a: {  	v27 =	vld.idx.msk [tilespmem:v31+s4+$0x0], $0xffff;
	vm8 =	vlt.f32 v29, v30  }
0x13b: {  	v31 =	vld.idx.msk [tilespmem:v33+s25+$0x0], $0xffff;
	vm9 =	vmneg vm8  }
0x13c: {  	v44 =	vsel vm8, $0x1, v8;
	v45 =	vsel vm9, $0x1, v8  }
0x13d: {  	v25 =	vadd.s32 v44, v25;
	v26 =	vadd.s32 v45, v26  }
0x13e: {  	v32 =	vand.u32 $0xFFFFFF80, v25;
	v46 =	vand.u32 $0x7F, v25;
	v47 =	vshll.u32 v26, $0x3  }
0x13f: {  	v32 =	vadd.s32 v15, v32;
	v48 =	vand.u32 $0x7F, v26;
	v34 =	vand.u32 $0xFFFFFC00, v47  }
0x140: {  	vm10 =	vlt.f32 v27, v31;
	v32 =	vor.u32 v46, v32;
	v49 =	vor.u32 v48, v34  }
0x141: {  	s2 =	simm.s32 $0x2;
	vm11 =	vmneg vm10;
	v33 =	vadd.s32 v7, v49  }
0x142: {  	v54 =	vor.u32 s2, v16;
	v50 =	vsel vm10, $0x1, v8;
	v51 =	vsel vm11, $0x1, v8  }
0x143: {  	v29 =	vmin.f32 v29, v30;
	v28 =	vadd.s32 v50, v28;
	v30 =	vadd.s32 v51, v24  }
0x144: {  	v24 =	vand.u32 $0xFFFFFF80, v28;
	v52 =	vand.u32 $0x7F, v28;
	v53 =	vshll.u32 v30, $0x3  }
0x145: {  	v24 =	vadd.s32 v14, v24;
	v55 =	vand.u32 $0x7F, v30;
	v35 =	vand.u32 $0xFFFFFC00, v53;
	v32 =	vld.idx.msk [tilespmem:v32+s4+$0x0], $0xffff  }
0x146: {  	v29 =	vmul.f32 v29, v20;
	v24 =	vor.u32 v52, v24;
	v56 =	vor.u32 v55, v35;
	v33 =	vld.idx.msk [tilespmem:v33+s25+$0x0], $0xffff  }
0x147: {  	v34 =	vadd.s32 v9, v56  }
0x148: {  	s11 =	simm.s32 $0x3;
	v22 =	vmin.f32 v21, v22;
	v21 =	vor.u32 v11, v23;
	v23 =	vadd.f32 v29, v19  }
0x149: {  	v62 =	vor.u32 s11, v16;
	v22 =	vmul.f32 v22, v18  }
0x14a: {  	v57 =	vor.u32 s1, v21;
	v61 =	vor.u32 s2, v21;
	v27 =	vmin.f32 v27, v31;
	[tilespmem:v54+s26+$0x0] =	vst.idx.msk $0xffff, v23  }
0x14b: {  	v23 =	vmul.f32 v27, v18;
	v27 =	vld.idx.msk [tilespmem:v24+s4+$0x0], $0xffff;
	vm12 =	vlt.f32 v32, v33;
	v24 =	vmin.f32 v32, v33  }
0x14c: {  	v31 =	vld.idx.msk [tilespmem:v34+s25+$0x0], $0xffff;
	vm13 =	vmneg vm12;
	v32 =	vmul.f32 v24, v20;
	v24 =	vsel vm12, $0x1, v8  }
0x14d: {  	v22 =	vadd.f32 v22, v17;
	v24 =	vadd.s32 v24, v25;
	v25 =	vsel vm13, $0x1, v8  }
0x14e: {  	v29 =	vor.u32 s0, v21;
	v23 =	vadd.f32 v23, v17;
	v25 =	vadd.s32 v25, v26  }
0x14f: {  	v58 =	vand.u32 $0xFFFFFF80, v24;
	v26 =	vand.u32 $0x7F, v24;
	v59 =	vshll.u32 v25, $0x3  }
0x150: {  	v33 =	vadd.s32 v15, v58;
	v60 =	vand.u32 $0x7F, v25;
	v34 =	vand.u32 $0xFFFFFC00, v59  }
0x151: {  	vm14 =	vlt.f32 v27, v31;
	v33 =	vor.u32 v26, v33;
	v26 =	vor.u32 v60, v34  }
0x152: {  	v32 =	vadd.f32 v32, v19;
	vm15 =	vmneg vm14;
	v36 =	vadd.s32 v7, v26  }
0x153: {  	v26 =	vmin.f32 v27, v31;
	v27 =	vsel vm14, $0x1, v8;
	v31 =	vsel vm15, $0x1, v8  }
0x154: {  	v63 =	vmul.f32 v26, v18;
	v27 =	vadd.s32 v27, v28;
	v26 =	vadd.s32 v31, v30  }
0x155: {  	[tilespmem:v29+s26+$0x0] =	vst.idx.msk $0xffff, v22;
	v22 =	vand.u32 $0xFFFFFF80, v27;
	v30 =	vand.u32 $0x7F, v27;
	v28 =	vshll.u32 v26, $0x3  }
0x156: {  	[tilespmem:v57+s26+$0x0] =	vst.idx.msk $0xffff, v23;
	v23 =	vand.u32 $0x7F, v26;
	v29 =	vand.u32 $0xFFFFFC00, v28;
	v28 =	vld.idx.msk [tilespmem:v33+s4+$0x0], $0xffff;
	v22 =	vadd.s32 v14, v22  }
0x157: {  	v31 =	vadd.f32 v63, v17;
	v23 =	vor.u32 v23, v29;
	v22 =	vor.u32 v30, v22;
	v29 =	vld.idx.msk [tilespmem:v36+s25+$0x0], $0xffff  }
0x158: {  	[tilespmem:v62+s26+$0x0] =	vst.idx.msk $0xffff, v32;
	v23 =	vadd.s32 v9, v23  }
0x159: {  	s10 =	simm.s32 $0x4;
	s0 =	simm.s32 $0x8;
	[tilespmem:v61+s26+$0x0] =	vst.idx.msk $0xffff, v31  }
.LBB2_8:
0x15a: {  	_ = 	snop  }
0x15b: {  	p0 =	slt.u32 s0, $0x7C;
	s14 =	smov.u32 s0;
	s0 =	sadd.s32 $0x4, s0  }
0x15c: {  	vm0 =	vlt.f32 v28, v29;
	v28 =	vmin.f32 v28, v29;
	v29 =	vor.u32 s10, v16;
	v22 =	vld.idx.msk [tilespmem:v22+s4+$0x0], $0xffff  }
0x15d: {  	vm1 =	vmneg vm0;
	v28 =	vmul.f32 v28, v20;
	v30 =	vsel vm0, $0x1, v8;
	v23 =	vld.idx.msk [tilespmem:v23+s25+$0x0], $0xffff  }
0x15e: {  	v24 =	vadd.s32 v30, v24;
	v30 =	vsel vm1, $0x1, v8  }
0x15f: {  	v28 =	vadd.f32 v28, v19;
	v25 =	vadd.s32 v30, v25;
	v30 =	vand.u32 $0xFFFFFF80, v24  }
0x160: {  	v30 =	vadd.s32 v15, v30;
	v31 =	vand.u32 $0x7F, v25;
	v32 =	vshll.u32 v25, $0x3  }
0x161: {  	[tilespmem:v29+s26+$0x0] =	vst.idx.msk $0xffff, v28;
	v28 =	vand.u32 $0x7F, v24;
	v29 =	vand.u32 $0xFFFFFC00, v32  }
0x162: {  	v28 =	vor.u32 v28, v30;
	v29 =	vor.u32 v31, v29  }
0x163: {  	vm0 =	vlt.f32 v22, v23;
	v22 =	vmin.f32 v22, v23;
	v29 =	vadd.s32 v7, v29  }
0x164: {  	vm1 =	vmneg vm0;
	v22 =	vmul.f32 v22, v18;
	v23 =	vsel vm0, $0x1, v8  }
0x165: {  	v30 =	vor.u32 s11, v21;
	v23 =	vadd.s32 v23, v27;
	v27 =	vsel vm1, $0x1, v8  }
0x166: {  	v31 =	vand.u32 $0xFFFFFF80, v23;
	v32 =	vand.u32 $0x7F, v23;
	v26 =	vadd.s32 v27, v26  }
0x167: {  	v27 =	vadd.s32 v14, v31;
	v31 =	vand.u32 $0x7F, v26;
	v33 =	vshll.u32 v26, $0x3;
	v28 =	vld.idx.msk [tilespmem:v28+s4+$0x0], $0xffff  }
0x168: {  	v22 =	vadd.f32 v22, v17;
	v27 =	vor.u32 v32, v27;
	v32 =	vand.u32 $0xFFFFFC00, v33;
	v29 =	vld.idx.msk [tilespmem:v29+s25+$0x0], $0xffff  }
0x169: {  	v31 =	vor.u32 v31, v32  }
0x16a: {  	v31 =	vadd.s32 v9, v31;
	[tilespmem:v30+s26+$0x0] =	vst.idx.msk $0xffff, v22;
	_ =	sdelay $0x2  }
0x16b: {  	s1 =	sadd.s32 $0x1, s10;
	v22 =	vld.idx.msk [tilespmem:v27+s4+$0x0], $0xffff  }
0x16c: {  	vm0 =	vlt.f32 v28, v29;
	v27 =	vmin.f32 v28, v29;
	v28 =	vor.u32 s1, v16  }
0x16d: {  	vm1 =	vmneg vm0;
	v27 =	vmul.f32 v27, v20;
	v30 =	vsel vm0, $0x1, v8;
	v29 =	vld.idx.msk [tilespmem:v31+s25+$0x0], $0xffff  }
0x16e: {  	v24 =	vadd.s32 v30, v24;
	v30 =	vsel vm1, $0x1, v8  }
0x16f: {  	v27 =	vadd.f32 v27, v19;
	v25 =	vadd.s32 v30, v25;
	v30 =	vand.u32 $0xFFFFFF80, v24  }
0x170: {  	v31 =	vand.u32 $0x7F, v24;
	v30 =	vadd.s32 v15, v30;
	v32 =	vshll.u32 v25, $0x3  }
0x171: {  	v33 =	vor.u32 s10, v21;
	[tilespmem:v28+s26+$0x0] =	vst.idx.msk $0xffff, v27;
	v27 =	vand.u32 $0x7F, v25;
	v28 =	vand.u32 $0xFFFFFC00, v32  }
0x172: {  	v30 =	vor.u32 v31, v30;
	v27 =	vor.u32 v27, v28  }
0x173: {  	vm0 =	vlt.f32 v22, v29;
	v27 =	vadd.s32 v7, v27  }
0x174: {  	v22 =	vmin.f32 v22, v29;
	vm1 =	vmneg vm0;
	v28 =	vsel vm0, $0x1, v8  }
0x175: {  	v23 =	vadd.s32 v28, v23;
	v28 =	vsel vm1, $0x1, v8  }
0x176: {  	v26 =	vadd.s32 v28, v26;
	v28 =	vand.u32 $0xFFFFFF80, v23;
	v29 =	vand.u32 $0x7F, v23  }
0x177: {  	v22 =	vmul.f32 v22, v18;
	v28 =	vadd.s32 v14, v28;
	v31 =	vshll.u32 v26, $0x3;
	v30 =	vld.idx.msk [tilespmem:v30+s4+$0x0], $0xffff  }
0x178: {  	v28 =	vor.u32 v29, v28;
	v29 =	vand.u32 $0x7F, v26;
	v31 =	vand.u32 $0xFFFFFC00, v31;
	v27 =	vld.idx.msk [tilespmem:v27+s25+$0x0], $0xffff  }
0x179: {  	v22 =	vadd.f32 v22, v17;
	v29 =	vor.u32 v29, v31  }
0x17a: {  	v29 =	vadd.s32 v9, v29  }
0x17b: {  	[tilespmem:v33+s26+$0x0] =	vst.idx.msk $0xffff, v22;
	_ =	sdelay $0x1  }
0x17c: {  	v22 =	vld.idx.msk [tilespmem:v28+s4+$0x0], $0xffff  }
0x17d: {  	vm0 =	vlt.f32 v30, v27;
	v27 =	vmin.f32 v30, v27  }
0x17e: {  	vm1 =	vmneg vm0;
	v27 =	vmul.f32 v27, v20;
	v28 =	vld.idx.msk [tilespmem:v29+s25+$0x0], $0xffff;
	v29 =	vsel vm0, $0x1, v8  }
0x17f: {  	v24 =	vadd.s32 v29, v24;
	v29 =	vsel vm1, $0x1, v8  }
0x180: {  	v27 =	vadd.f32 v27, v19;
	v25 =	vadd.s32 v29, v25;
	v29 =	vand.u32 $0xFFFFFF80, v24  }
0x181: {  	v30 =	vand.u32 $0x7F, v24;
	v29 =	vadd.s32 v15, v29;
	v31 =	vshll.u32 v25, $0x3  }
0x182: {  	v32 =	vor.u32 s1, v21;
	v33 =	vand.u32 $0x7F, v25;
	v31 =	vand.u32 $0xFFFFFC00, v31  }
0x183: {  	v29 =	vor.u32 v30, v29;
	v30 =	vor.u32 v33, v31  }
0x184: {  	vm0 =	vlt.f32 v22, v28;
	v30 =	vadd.s32 v7, v30  }
0x185: {  	v22 =	vmin.f32 v22, v28;
	vm1 =	vmneg vm0;
	v28 =	vsel vm0, $0x1, v8  }
0x186: {  	v23 =	vadd.s32 v28, v23;
	v28 =	vsel vm1, $0x1, v8  }
0x187: {  	s1 =	sadd.s32 $0x2, s10;
	v26 =	vadd.s32 v28, v26;
	v28 =	vand.u32 $0xFFFFFF80, v23;
	v31 =	vand.u32 $0x7F, v23  }
0x188: {  	v22 =	vmul.f32 v22, v18;
	v28 =	vadd.s32 v14, v28;
	v33 =	vshll.u32 v26, $0x3;
	v29 =	vld.idx.msk [tilespmem:v29+s4+$0x0], $0xffff  }
0x189: {  	v34 =	vor.u32 s1, v16;
	v35 =	vand.u32 $0x7F, v26;
	v33 =	vand.u32 $0xFFFFFC00, v33;
	v30 =	vld.idx.msk [tilespmem:v30+s25+$0x0], $0xffff  }
0x18a: {  	v22 =	vadd.f32 v22, v17;
	v28 =	vor.u32 v31, v28;
	v31 =	vor.u32 v35, v33  }
0x18b: {  	v31 =	vadd.s32 v9, v31  }
0x18c: {  	[tilespmem:v32+s26+$0x0] =	vst.idx.msk $0xffff, v22;
	_ =	sdelay $0x1  }
0x18d: {  	[tilespmem:v34+s26+$0x0] =	vst.idx.msk $0xffff, v27  }
0x18e: {  	vm0 =	vlt.f32 v29, v30;
	v27 =	vmin.f32 v29, v30;
	v22 =	vld.idx.msk [tilespmem:v28+s4+$0x0], $0xffff  }
0x18f: {  	vm1 =	vmneg vm0;
	v27 =	vmul.f32 v27, v20;
	v29 =	vsel vm0, $0x1, v8;
	v28 =	vld.idx.msk [tilespmem:v31+s25+$0x0], $0xffff  }
0x190: {  	v24 =	vadd.s32 v29, v24;
	v29 =	vsel vm1, $0x1, v8  }
0x191: {  	v30 =	vand.u32 $0xFFFFFF80, v24;
	v31 =	vadd.f32 v27, v19;
	v25 =	vadd.s32 v29, v25  }
0x192: {  	v27 =	vand.u32 $0x7F, v24;
	v29 =	vadd.s32 v15, v30;
	v30 =	vshll.u32 v25, $0x3  }
0x193: {  	v32 =	vand.u32 $0x7F, v25;
	v30 =	vand.u32 $0xFFFFFC00, v30  }
0x194: {  	v29 =	vor.u32 v27, v29;
	v27 =	vor.u32 v32, v30;
	v30 =	vor.u32 s1, v21  }
0x195: {  	v32 =	vadd.s32 v7, v27;
	vm0 =	vlt.f32 v22, v28;
	v22 =	vmin.f32 v22, v28  }
0x196: {  	s11 =	sadd.s32 $0x3, s10;
	s10 =	smov.u32 s14;
	vm1 =	vmneg vm0;
	v22 =	vmul.f32 v22, v18;
	v27 =	vsel vm0, $0x1, v8  }
0x197: {  	v33 =	vor.u32 s11, v16;
	v27 =	vadd.s32 v27, v23;
	v23 =	vsel vm1, $0x1, v8  }
0x198: {  	v26 =	vadd.s32 v23, v26;
	v23 =	vand.u32 $0xFFFFFF80, v27;
	v34 =	vand.u32 $0x7F, v27  }
.Ltmp2:
0x199: {  	v23 =	vadd.s32 v14, v23;
	v35 =	vand.u32 $0x7F, v26;
	v36 =	vshll.u32 v26, $0x3;
	v28 =	vld.idx.msk [tilespmem:v29+s4+$0x0], $0xffff;
	(pc) =	sbr.rel @p0 .LBB2_8-.Ltmp2, $4  }
0x19a: {  	v29 =	vld.idx.msk [tilespmem:v32+s25+$0x0], $0xffff;
	v32 =	vadd.f32 v22, v17;
	v22 =	vor.u32 v34, v23;
	v23 =	vand.u32 $0xFFFFFC00, v36  }
0x19b: {  	v23 =	vor.u32 v35, v23  }
0x19c: {  	[tilespmem:v33+s26+$0x0] =	vst.idx.msk $0xffff, v31;
	v23 =	vadd.s32 v9, v23  }
0x19d: {  	[tilespmem:v30+s26+$0x0] =	vst.idx.msk $0xffff, v32  }
0x19e: {  	_ =	sdelay $0x3  }
0x19f: {  	v22 =	vld.idx.msk [tilespmem:v22+s4+$0x0], $0xffff  }
0x1a0: {  	v23 =	vld.idx.msk [tilespmem:v23+s25+$0x0], $0xffff;
	vm0 =	vlt.f32 v28, v29  }
0x1a1: {  	vm1 =	vmneg vm0;
	v30 =	vsel vm0, $0x1, v8  }
0x1a2: {  	v24 =	vadd.s32 v30, v24;
	v46 =	vsel vm1, $0x1, v8  }
0x1a3: {  	v47 =	vmin.f32 v28, v29;
	v25 =	vadd.s32 v46, v25;
	v48 =	vand.u32 $0xFFFFFF80, v24  }
0x1a4: {  	v32 =	vand.u32 $0x7F, v24;
	v29 =	vadd.s32 v15, v48;
	v31 =	vshll.u32 v25, $0x3  }
0x1a5: {  	v30 =	vand.u32 $0x7F, v25;
	vm5 =	vlt.f32 v22, v23;
	v31 =	vand.u32 $0xFFFFFC00, v31  }
0x1a6: {  	v29 =	vor.u32 v32, v29;
	vm6 =	vmneg vm5;
	v30 =	vor.u32 v30, v31  }
0x1a7: {  	v49 =	vsel vm5, $0x1, v8;
	v50 =	vsel vm6, $0x1, v8;
	v30 =	vadd.s32 v7, v30  }
0x1a8: {  	v33 =	vor.u32 s10, v16;
	v27 =	vadd.s32 v49, v27;
	v26 =	vadd.s32 v50, v26  }
0x1a9: {  	v31 =	vand.u32 $0xFFFFFF80, v27;
	v51 =	vand.u32 $0x7F, v27;
	v34 =	vshll.u32 v26, $0x3  }
0x1aa: {  	v31 =	vadd.s32 v14, v31;
	v35 =	vand.u32 $0x7F, v26;
	v34 =	vand.u32 $0xFFFFFC00, v34  }
0x1ab: {  	v28 =	vmul.f32 v47, v20;
	v31 =	vor.u32 v51, v31;
	v29 =	vld.idx.msk [tilespmem:v29+s4+$0x0], $0xffff;
	v52 =	vor.u32 v35, v34  }
0x1ac: {  	v32 =	vadd.s32 v9, v52;
	v30 =	vld.idx.msk [tilespmem:v30+s25+$0x0], $0xffff  }
0x1ad: {  	v28 =	vadd.f32 v28, v19;
	_ =	sdelay $0x1  }
0x1ae: {  	[tilespmem:v33+s26+$0x0] =	vst.idx.msk $0xffff, v28  }
0x1af: {  	v28 =	vld.idx.msk [tilespmem:v31+s4+$0x0], $0xffff  }
0x1b0: {  	v31 =	vld.idx.msk [tilespmem:v32+s25+$0x0], $0xffff;
	vm7 =	vlt.f32 v29, v30  }
0x1b1: {  	s0 =	sadd.s32 $0x1, s10;
	v53 =	vsel vm7, $0x1, v8  }
0x1b2: {  	v54 =	vor.u32 s0, v16;
	vm0 =	vmneg vm7;
	v24 =	vadd.s32 v53, v24  }
0x1b3: {  	v29 =	vmin.f32 v29, v30;
	v55 =	vsel vm0, $0x1, v8;
	v56 =	vand.u32 $0xFFFFFF80, v24  }
0x1b4: {  	v25 =	vadd.s32 v55, v25;
	v57 =	vand.u32 $0x7F, v24;
	v33 =	vadd.s32 v15, v56  }
0x1b5: {  	v58 =	vshll.u32 v25, $0x3;
	v59 =	vand.u32 $0x7F, v25;
	vm8 =	vlt.f32 v28, v31  }
0x1b6: {  	v34 =	vand.u32 $0xFFFFFC00, v58;
	v32 =	vor.u32 v57, v33;
	vm9 =	vmneg vm8  }
0x1b7: {  	v61 =	vsel vm8, $0x1, v8;
	v60 =	vor.u32 v59, v34;
	v62 =	vsel vm9, $0x1, v8  }
0x1b8: {  	v27 =	vadd.s32 v61, v27;
	v33 =	vadd.s32 v7, v60;
	v26 =	vadd.s32 v62, v26  }
0x1b9: {  	v34 =	vand.u32 $0xFFFFFF80, v27;
	v63 =	vand.u32 $0x7F, v27;
	v36 =	vshll.u32 v26, $0x3  }
0x1ba: {  	v34 =	vadd.s32 v14, v34;
	v37 =	vand.u32 $0x7F, v26;
	v36 =	vand.u32 $0xFFFFFC00, v36  }
0x1bb: {  	v29 =	vmul.f32 v29, v20;
	v34 =	vor.u32 v63, v34;
	v37 =	vor.u32 v37, v36  }
0x1bc: {  	v35 =	vadd.s32 v9, v37  }
0x1bd: {  	v29 =	vadd.f32 v29, v19  }
0x1be: {  	v32 =	vld.idx.msk [tilespmem:v32+s4+$0x0], $0xffff  }
0x1bf: {  	[tilespmem:v54+s26+$0x0] =	vst.idx.msk $0xffff, v29;
	v33 =	vld.idx.msk [tilespmem:v33+s25+$0x0], $0xffff  }
0x1c0: {  	v29 =	vld.idx.msk [tilespmem:v34+s4+$0x0], $0xffff  }
0x1c1: {  	v30 =	vld.idx.msk [tilespmem:v35+s25+$0x0], $0xffff;
	_ =	sdelay $0x2  }
0x1c2: {  	s1 =	sadd.s32 $0x2, s10;
	vm10 =	vlt.f32 v32, v33  }
0x1c3: {  	v44 =	vor.u32 s1, v16;
	v32 =	vmin.f32 v32, v33;
	vm11 =	vmneg vm10  }
0x1c4: {  	v32 =	vmul.f32 v32, v20;
	v38 =	vsel vm10, $0x1, v8;
	vm12 =	vlt.f32 v29, v30  }
0x1c5: {  	v39 =	vsel vm11, $0x1, v8;
	v24 =	vadd.s32 v38, v24;
	vm13 =	vmneg vm12  }
0x1c6: {  	v33 =	vand.u32 $0xFFFFFF80, v24;
	v40 =	vsel vm12, $0x1, v8;
	v41 =	vsel vm13, $0x1, v8  }
0x1c7: {  	v15 =	vadd.s32 v15, v33;
	v27 =	vadd.s32 v40, v27;
	v26 =	vadd.s32 v41, v26  }
0x1c8: {  	v42 =	vand.u32 $0xFFFFFF80, v27;
	v34 =	vand.u32 $0x7F, v27;
	v43 =	vshll.u32 v26, $0x3  }
0x1c9: {  	v33 =	vadd.s32 v14, v42;
	v45 =	vand.u32 $0x7F, v26;
	v35 =	vand.u32 $0xFFFFFC00, v43  }
0x1ca: {  	v25 =	vadd.s32 v39, v25;
	v33 =	vor.u32 v34, v33;
	v34 =	vor.u32 v45, v35  }
0x1cb: {  	v24 =	vand.u32 $0x7F, v24;
	v46 =	vshll.u32 v25, $0x3;
	v34 =	vadd.s32 v9, v34  }
0x1cc: {  	v48 =	vadd.f32 v32, v19;
	v25 =	vand.u32 $0x7F, v25;
	v35 =	vand.u32 $0xFFFFFC00, v46  }
0x1cd: {  	v15 =	vor.u32 v24, v15;
	v47 =	vor.u32 v25, v35  }
0x1ce: {  	[tilespmem:v44+s26+$0x0] =	vst.idx.msk $0xffff, v48;
	v24 =	vadd.s32 v7, v47  }
0x1cf: {  	v25 =	vld.idx.msk [tilespmem:v33+s4+$0x0], $0xffff  }
0x1d0: {  	v49 =	vld.idx.msk [tilespmem:v34+s25+$0x0], $0xffff;
	_ =	sdelay $0x1  }
0x1d1: {  	v15 =	vld.idx.msk [tilespmem:v15+s4+$0x0], $0xffff  }
0x1d2: {  	v24 =	vld.idx.msk [tilespmem:v24+s25+$0x0], $0xffff;
	_ =	sdelay $0x1  }
0x1d3: {  	vm14 =	vlt.f32 v25, v49  }
0x1d4: {  	s2 =	sadd.s32 $0x3, s10;
	vm15 =	vmneg vm14  }
0x1d5: {  	v52 =	vor.u32 s2, v16;
	v50 =	vsel vm14, $0x1, v8;
	v51 =	vsel vm15, $0x1, v8  }
0x1d6: {  	v15 =	vmin.f32 v15, v24;
	v24 =	vadd.s32 v50, v27;
	v26 =	vadd.s32 v51, v26  }
0x1d7: {  	v27 =	vand.u32 $0xFFFFFF80, v24;
	v24 =	vand.u32 $0x7F, v24;
	v33 =	vshll.u32 v26, $0x3  }
0x1d8: {  	v14 =	vadd.s32 v14, v27;
	v26 =	vand.u32 $0x7F, v26;
	v53 =	vand.u32 $0xFFFFFC00, v33  }
0x1d9: {  	v15 =	vmul.f32 v15, v20;
	v14 =	vor.u32 v24, v14;
	v54 =	vor.u32 v26, v53  }
0x1da: {  	v20 =	vadd.s32 v9, v54  }
0x1db: {  	v15 =	vadd.f32 v15, v19;
	_ =	sdelay $0x1  }
0x1dc: {  	[tilespmem:v52+s26+$0x0] =	vst.idx.msk $0xffff, v15  }
0x1dd: {  	v14 =	vld.idx.msk [tilespmem:v14+s4+$0x0], $0xffff  }
0x1de: {  	v55 =	vmin.f32 v28, v31;
	v56 =	vld.idx.msk [tilespmem:v20+s25+$0x0], $0xffff  }
0x1df: {  	v57 =	vor.u32 s11, v21;
	v16 =	vmul.f32 v55, v18;
	v58 =	vor.u32 s10, v21  }
0x1e0: {  	v59 =	vor.u32 s0, v21;
	v61 =	vor.u32 s1, v21;
	v15 =	vmin.f32 v22, v23  }
0x1e1: {  	v16 =	vadd.f32 v16, v17;
	v25 =	vmin.f32 v25, v49;
	v15 =	vmul.f32 v15, v18  }
0x1e2: {  	s9 =	sadd.s32 $0x1, s9;
	v62 =	vor.u32 s2, v21;
	v60 =	vmin.f32 v29, v30;
	v25 =	vmul.f32 v25, v18  }
0x1e3: {  	p0 =	sne.s32 s9, $0x4;
	v24 =	vmul.f32 v60, v18;
	v15 =	vadd.f32 v15, v17;
	v14 =	vmin.f32 v14, v56  }
.Ltmp3:
0x1e4: {  	[tilespmem:v58+s26+$0x0] =	vst.idx.msk $0xffff, v16;
	v63 =	vadd.f32 v25, v17;
	v14 =	vmul.f32 v14, v18;
	(pc) =	sbr.rel @p0 .LBB2_3-.Ltmp3, $4  }
0x1e5: {  	[tilespmem:v57+s26+$0x0] =	vst.idx.msk $0xffff, v15;
	v15 =	vadd.f32 v24, v17  }
0x1e6: {  	[tilespmem:v61+s26+$0x0] =	vst.idx.msk $0xffff, v63;
	v14 =	vadd.f32 v14, v17  }
0x1e7: {  	[tilespmem:v59+s26+$0x0] =	vst.idx.msk $0xffff, v15  }
0x1e8: {  	[tilespmem:v62+s26+$0x0] =	vst.idx.msk $0xffff, v14  }
0x1e9: {  	s0 =	sshll.u32 s31, $0xD;
	s1 =	rddreg [dreg:$0xb]  }
0x1ea: {  	s30 =	simm.s32 $0x3;
	s0 =	sadd.s32 s0, s1  }
0x1eb: {  	[hbm4b:s0+s4] =	stream.linear.scatter [tilespmem:s26], [sflag:$0x3], $0x8000, $0x38;
	[tilespmem:$0x1B200] =	vst v63  }
0x1ec: {  	_ =	swait.ge [sflag:s30], $0x8000  }
0x1ed: {  	[sflag:s30] =	ssyncset.done $0x0  }
0x1ee: {  	[sflag:s30] =	ssyncadd.s32 $0xFFFF8000  }
0x1ef: {  	_ =	swait.ge [sflag:s29], $0x4000  }
0x1f0: {  	[sflag:s29] =	ssyncset.done $0x0  }
0x1f1: {  	[sflag:s29] =	ssyncadd.s32 $0xFFFFC000  }
0x1f2: {  	_ =	swait.ge [sflag:s29], $0x4000  }
0x1f3: {  	[sflag:s29] =	ssyncset.done $0x0  }
0x1f4: {  	[sflag:s29] =	ssyncadd.s32 $0xFFFFC000  }
0x1f5: {  	_ =	swait.ge [sflag:s29], $0x80  }
0x1f6: {  	[sflag:s29] =	ssyncset.done $0x0  }
0x1f7: {  	[sflag:s29] =	ssyncadd.s32 $0xFFFFFF80  }
0x1f8: {  	_ =	swait.ge [sflag:s29], $0x80  }
0x1f9: {  	p0 =	seq.s32 s31, $0x7;
	s0 =	rddreg [dreg:$0xc];
	[sflag:s29] =	ssyncset.done $0x0  }
0x1fa: {  	s0 =	sadd.s32 @!p0 s5, s0;
	[sflag:s29] =	ssyncadd.s32 $0xFFFFFF80  }
0x1fb: {  	s1 =	sshll.u32 @!p0 s0, $0x4;
	s2 =	rddreg [dreg:$0x0]  }
0x1fc: {  	s3 =	simm.s32 @!p0 $0x0;
	s2 =	sadd.s32 @!p0 s2, s1  }
0x1fd: {  	[tilespmem:s3], [sflag:$0x1] =	stream.linear.gather @!p0 [hbm4b:s2+s3], $0x4000, $0x38;
	[tilespmem:$0x1B200] =	vst v63  }
0x1fe: {  	s2 =	rddreg [dreg:$0x5]  }
0x1ff: {  	s1 =	sadd.s32 @!p0 s2, s1;
	s2 =	simm.s32 @!p0 $0x4000  }
0x200: {  	[tilespmem:s2], [sflag:$0x1] =	stream.linear.gather @!p0 [hbm4b:s1+s3], $0x4000, $0x38;
	[tilespmem:$0x1B200] =	vst v63  }
0x201: {  	s0 =	sshrl.u32 @!p0 s0, $0x3;
	s1 =	rddreg [dreg:$0x2]  }
0x202: {  	s2 =	simm.s32 @!p0 $0x8000;
	s1 =	sadd.s32 @!p0 s1, s0  }
0x203: {  	[tilespmem:s2], [sflag:$0x1] =	stream.linear.gather @!p0 [hbm4b:s1+s3], $0x80, $0x38;
	[tilespmem:$0x1B200] =	vst v63  }
0x204: {  	s8 =	simm.s32 $0x0;
	s1 =	rddreg [dreg:$0x3]  }
0x205: {  	s5 =	simm.s32 $0x0;
	s0 =	sadd.s32 @!p0 s1, s0;
	s1 =	simm.s32 @!p0 $0x8080  }
0x206: {  	[tilespmem:s1], [sflag:$0x1] =	stream.linear.gather @!p0 [hbm4b:s0+s3], $0x80, $0x38;
	[tilespmem:$0x1B200] =	vst v63  }
.LBB2_11:
0x207: {  	s0 =	sshll.u32 s8, $0x5  }
0x208: {  	v17 =	vor.u32 s0, v0  }
0x209: {  	v15 =	vshll.u32 v17, $0x7  }
0x20a: {  	v14 =	vor.u32 s5, v15  }
0x20b: {  	s2 =	simm.s32 $0x1  }
0x20c: {  	v16 =	vor.u32 s2, v15  }
0x20d: {  	s6 =	simm.s32 $0x2  }
0x20e: {  	v18 =	vor.u32 s6, v15  }
0x20f: {  	s3 =	simm.s32 $0x3;
	v19 =	vld.idx.msk [tilespmem:v14+s21+$0x0], $0xffff  }
0x210: {  	v20 =	vor.u32 s3, v15  }
0x211: {  	s1 =	simm.s32 $0x4;
	v23 =	vimm.f32 $0.0e+00;
	v21 =	vld.idx.msk [tilespmem:v16+s21+$0x0], $0xffff  }
0x212: {  	v28 =	vor.u32 s5, v1;
	v29 =	vor.u32 s5, v2;
	s0 =	sor.u32 $0x10, s0;
	v22 =	vor.u32 s1, v15  }
0x213: {  	s7 =	simm.s32 $0x5;
	v27 =	vor.u32 s1, v1;
	v31 =	vadd.s32 s2, v2;
	v16 =	vor.u32 s0, v0;
	v18 =	vld.idx.msk [tilespmem:v18+s21+$0x0], $0xffff  }
0x214: {  	s12 =	simm.s32 $0x6;
	v24 =	vor.u32 s7, v15;
	v14 =	vshll.u32 v16, $0x7;
	v19 =	vadd.f32 $9.999999770e-03, v19  }
0x215: {  	v32 =	vadd.s32 s2, v1;
	v35 =	vor.u32 s12, v1;
	v20 =	vld.idx.msk [tilespmem:v20+s21+$0x0], $0xffff;
	v30 =	vor.u32 s5, v14  }
0x216: {  	v25 =	vor.u32 s12, v15;
	v21 =	vadd.f32 $9.999999770e-03, v21;
	v19 =	vadd.f32 v19, v23  }
0x217: {  	s15 =	simm.s32 $0x7;
	v36 =	vor.u32 s6, v1;
	v37 =	vor.u32 s6, v2;
	v22 =	vld.idx.msk [tilespmem:v22+s21+$0x0], $0xffff;
	v34 =	vor.u32 s2, v14  }
0x218: {  	v26 =	vor.u32 s15, v15;
	v18 =	vadd.f32 $9.999999770e-03, v18;
	v21 =	vadd.f32 v21, v19  }
0x219: {  	v39 =	vadd.s32 s7, v1;
	v55 =	vadd.s32 s7, v2;
	v24 =	vld.idx.msk [tilespmem:v24+s21+$0x0], $0xffff;
	[tilespmem:v28+s24+$0x0] =	vst.idx.msk $0xffff, v19;
	v19 =	vor.u32 s6, v14  }
0x21a: {  	v20 =	vadd.f32 $9.999999770e-03, v20;
	v28 =	vadd.s32 s3, v1;
	v30 =	vld.idx.msk [tilespmem:v30+s21+$0x0], $0xffff;
	v18 =	vadd.f32 v18, v21  }
0x21b: {  	s28 =	simm.s32 $0x9;
	v52 =	vadd.s32 s3, v2;
	v45 =	vor.u32 s12, v2;
	v25 =	vld.idx.msk [tilespmem:v25+s21+$0x0], $0xffff;
	[tilespmem:v32+s24+$0x0] =	vst.idx.msk $0xffff, v21;
	v21 =	vor.u32 s3, v14  }
0x21c: {  	s30 =	simm.s32 $0x8;
	v40 =	vor.u32 s28, v15;
	v22 =	vadd.f32 $9.999999770e-03, v22;
	v34 =	vld.idx.msk [tilespmem:v34+s21+$0x0], $0xffff;
	v20 =	vadd.f32 v20, v18  }
0x21d: {  	v54 =	vor.u32 s1, v2;
	v56 =	vor.u32 s30, v1;
	v48 =	vor.u32 s1, v14;
	[tilespmem:v36+s24+$0x0] =	vst.idx.msk $0xffff, v18;
	v18 =	vld.idx.msk [tilespmem:v26+s21+$0x0], $0xffff  }
0x21e: {  	s13 =	simm.s32 $0xA;
	v59 =	vadd.s32 s28, v1;
	v24 =	vadd.f32 $9.999999770e-03, v24;
	v19 =	vld.idx.msk [tilespmem:v19+s21+$0x0], $0xffff;
	v22 =	vadd.f32 v22, v20  }
0x21f: {  	v41 =	vor.u32 s13, v15;
	v38 =	vor.u32 s7, v14;
	[tilespmem:v28+s24+$0x0] =	vst.idx.msk $0xffff, v20;
	v28 =	vadd.f32 $9.999999770e-03, v30  }
0x220: {  	v25 =	vadd.f32 $9.999999770e-03, v25;
	v30 =	vor.u32 s30, v15;
	v21 =	vld.idx.msk [tilespmem:v21+s21+$0x0], $0xffff;
	v24 =	vadd.f32 v24, v22  }
0x221: {  	v49 =	vld.idx.msk [tilespmem:v40+s21+$0x0], $0xffff;
	v33 =	vor.u32 s12, v14;
	[tilespmem:v27+s24+$0x0] =	vst.idx.msk $0xffff, v22;
	v22 =	vadd.f32 v28, v23;
	v23 =	vadd.f32 $9.999999770e-03, v34  }
0x222: {  	s10 =	simm.s32 $0xC;
	v28 =	vadd.s32 s15, v1;
	v27 =	vld.idx.msk [tilespmem:v48+s21+$0x0], $0xffff;
	v18 =	vadd.f32 $9.999999770e-03, v18;
	v25 =	vadd.f32 v25, v24  }
0x223: {  	s11 =	simm.s32 $0xD;
	v42 =	vor.u32 s10, v15;
	[tilespmem:v39+s24+$0x0] =	vst.idx.msk $0xffff, v24;
	v23 =	vadd.f32 v23, v22;
	v24 =	vadd.f32 $9.999999770e-03, v19  }
0x224: {  	s9 =	simm.s32 $0xB;
	v43 =	vor.u32 s11, v15;
	v50 =	vor.u32 s15, v14;
	v51 =	vld.idx.msk [tilespmem:v38+s21+$0x0], $0xffff;
	v53 =	vadd.f32 v18, v25  }
0x225: {  	s14 =	simm.s32 $0xE;
	v26 =	vor.u32 s9, v15;
	v30 =	vld.idx.msk [tilespmem:v30+s21+$0x0], $0xffff;
	[tilespmem:v35+s24+$0x0] =	vst.idx.msk $0xffff, v25;
	v25 =	vadd.f32 v24, v23;
	v18 =	vadd.f32 $9.999999770e-03, v21  }
0x226: {  	v44 =	vor.u32 s14, v15;
	s0 =	simm.s32 $0xF;
	v57 =	vor.u32 s30, v14;
	v32 =	vadd.f32 $9.999999770e-03, v49;
	[tilespmem:v31+s24+$0x0] =	vst.idx.msk $0xffff, v23;
	v33 =	vld.idx.msk [tilespmem:v33+s21+$0x0], $0xffff  }
0x227: {  	v20 =	vor.u32 s0, v15;
	v31 =	vld.idx.msk [tilespmem:v41+s21+$0x0], $0xffff;
	[tilespmem:v28+s24+$0x0] =	vst.idx.msk $0xffff, v53;
	v28 =	vadd.f32 v18, v25;
	v27 =	vadd.f32 $9.999999770e-03, v27  }
0x228: {  	v19 =	vor.u32 s10, v1;
	[tilespmem:v29+s24+$0x0] =	vst.idx.msk $0xffff, v22;
	v22 =	vadd.s32 s28, v2;
	v24 =	vadd.s32 s15, v2  }
0x229: {  	v21 =	vor.u32 s30, v2;
	v29 =	vld.idx.msk [tilespmem:v50+s21+$0x0], $0xffff;
	v27 =	vadd.f32 v27, v28;
	v36 =	vadd.f32 $9.999999770e-03, v51  }
0x22a: {  	v58 =	vld.idx.msk [tilespmem:v26+s21+$0x0], $0xffff;
	v23 =	vor.u32 s14, v14;
	v35 =	vor.u32 s9, v14;
	[tilespmem:v37+s24+$0x0] =	vst.idx.msk $0xffff, v25;
	v25 =	vadd.f32 $9.999999770e-03, v30  }
0x22b: {  	v18 =	vor.u32 s13, v2;
	[tilespmem:v52+s24+$0x0] =	vst.idx.msk $0xffff, v28;
	v26 =	vadd.f32 v36, v27;
	v28 =	vadd.f32 $9.999999770e-03, v33  }
0x22c: {  	v30 =	vor.u32 s13, v1;
	v63 =	vadd.f32 $9.999999770e-03, v31;
	[tilespmem:v54+s24+$0x0] =	vst.idx.msk $0xffff, v27;
	v27 =	vadd.f32 v25, v53  }
0x22d: {  	v31 =	vor.u32 s13, v14;
	v36 =	vor.u32 s28, v14;
	v33 =	vld.idx.msk [tilespmem:v42+s21+$0x0], $0xffff;
	[tilespmem:v55+s24+$0x0] =	vst.idx.msk $0xffff, v26;
	v60 =	vadd.f32 v28, v26  }
0x22e: {  	v34 =	vld.idx.msk [tilespmem:v44+s21+$0x0], $0xffff;
	v25 =	vor.u32 s14, v1;
	v61 =	vadd.f32 $9.999999770e-03, v29;
	[tilespmem:v56+s24+$0x0] =	vst.idx.msk $0xffff, v27;
	v62 =	vadd.f32 v32, v27  }
0x22f: {  	v38 =	vadd.f32 $9.999999770e-03, v58;
	v29 =	vld.idx.msk [tilespmem:v43+s21+$0x0], $0xffff;
	v32 =	vadd.s32 s9, v1;
	v26 =	vor.u32 s11, v14;
	[tilespmem:v45+s24+$0x0] =	vst.idx.msk $0xffff, v60  }
0x230: {  	s6 =	simm.s32 $0x10;
	v28 =	vld.idx.msk [tilespmem:v57+s21+$0x0], $0xffff;
	v27 =	vadd.f32 v61, v60;
	[tilespmem:v59+s24+$0x0] =	vst.idx.msk $0xffff, v62;
	v37 =	vadd.f32 v63, v62  }
.LBB2_12:
0x231: {  	s7 =	sadd.s32 $0x1, s6  }
0x232: {  	s3 =	sadd.s32 $0x2, s6;
	v36 =	vld.idx.msk [tilespmem:v36+s21+$0x0], $0xffff;
	v33 =	vadd.f32 $9.999999770e-03, v33;
	v39 =	vor.u32 s10, v14;
	v40 =	vadd.s32 s11, v1;
	[tilespmem:v24+s24+$0x0] =	vst.idx.msk $0xffff, v27;
	s12 =	smov.u32 s6;
	s1 =	sadd.s32 $0x8, s6  }
0x233: {  	v24 =	vor.u32 s7, v15;
	v41 =	vor.u32 s3, v15;
	s2 =	sadd.s32 $0x3, s12;
	s13 =	sadd.s32 $0x4, s12;
	s15 =	sadd.s32 $0x5, s12;
	[tilespmem:v30+s24+$0x0] =	vst.idx.msk $0xffff, v37;
	v30 =	vadd.f32 v38, v37;
	v37 =	vld.idx.msk [tilespmem:v20+s21+$0x0], $0xffff  }
0x234: {  	p0 =	slt.u32 s6, $0x38;
	s28 =	sadd.s32 $0x6, s12;
	v38 =	vor.u32 s2, v15;
	v42 =	vor.u32 s13, v15;
	v43 =	vor.u32 s15, v15;
	v31 =	vld.idx.msk [tilespmem:v31+s21+$0x0], $0xffff  }
0x235: {  	s6 =	sadd.s32 $0x7, s12;
	v44 =	vor.u32 s28, v15;
	v29 =	vadd.f32 $9.999999770e-03, v29;
	[tilespmem:v32+s24+$0x0] =	vst.idx.msk $0xffff, v30;
	v30 =	vadd.f32 v33, v30  }
0x236: {  	v20 =	vor.u32 s6, v15;
	v32 =	vor.u32 s12, v15;
	v28 =	vadd.f32 $9.999999770e-03, v28;
	v33 =	vld.idx.msk [tilespmem:v35+s21+$0x0], $0xffff  }
0x237: {  	[tilespmem:v19+s24+$0x0] =	vst.idx.msk $0xffff, v30;
	v19 =	vor.u32 s13, v1;
	v29 =	vadd.f32 v29, v30;
	v30 =	vadd.f32 $9.999999770e-03, v34  }
0x238: {  	v35 =	vadd.s32 s0, v1;
	v27 =	vadd.f32 v28, v27;
	v28 =	vadd.f32 $9.999999770e-03, v36;
	v34 =	vld.idx.msk [tilespmem:v39+s21+$0x0], $0xffff  }
0x239: {  	v36 =	vld.idx.msk [tilespmem:v24+s21+$0x0], $0xffff;
	[tilespmem:v40+s24+$0x0] =	vst.idx.msk $0xffff, v29;
	v24 =	vadd.f32 v30, v29;
	v29 =	vadd.f32 $9.999999770e-03, v37;
	v30 =	vor.u32 s0, v14  }
0x23a: {  	[tilespmem:v21+s24+$0x0] =	vst.idx.msk $0xffff, v27;
	v21 =	vadd.f32 v28, v27;
	v27 =	vadd.f32 $9.999999770e-03, v31;
	v26 =	vld.idx.msk [tilespmem:v26+s21+$0x0], $0xffff  }
0x23b: {  	v31 =	vadd.s32 s9, v2;
	s9 =	smov.u32 s2;
	v28 =	vld.idx.msk [tilespmem:v32+s21+$0x0], $0xffff;
	[tilespmem:v25+s24+$0x0] =	vst.idx.msk $0xffff, v24;
	v25 =	vadd.f32 v29, v24  }
0x23c: {  	v24 =	vadd.s32 s0, v2;
	s0 =	smov.u32 s6;
	[tilespmem:v22+s24+$0x0] =	vst.idx.msk $0xffff, v21;
	v22 =	vadd.f32 v27, v21;
	v27 =	vadd.f32 $9.999999770e-03, v33;
	v29 =	vld.idx.msk [tilespmem:v23+s21+$0x0], $0xffff  }
0x23d: {  	v39 =	vor.u32 s14, v2;
	s14 =	smov.u32 s28;
	v37 =	vadd.s32 s11, v2;
	s11 =	smov.u32 s15;
	v32 =	vor.u32 s10, v2;
	s10 =	smov.u32 s13;
	[tilespmem:v35+s24+$0x0] =	vst.idx.msk $0xffff, v25  }
0x23e: {  	v21 =	vor.u32 s12, v2;
	[tilespmem:v18+s24+$0x0] =	vst.idx.msk $0xffff, v22;
	v23 =	vadd.f32 v27, v22;
	v27 =	vadd.f32 $9.999999770e-03, v34;
	v34 =	vld.idx.msk [tilespmem:v30+s21+$0x0], $0xffff  }
0x23f: {  	v35 =	vadd.f32 $9.999999770e-03, v36;
	v22 =	vadd.s32 s7, v2;
	v18 =	vor.u32 s3, v2;
	v40 =	vld.idx.msk [tilespmem:v41+s21+$0x0], $0xffff  }
0x240: {  	v41 =	vor.u32 s12, v1;
	v26 =	vadd.f32 $9.999999770e-03, v26;
	[tilespmem:v31+s24+$0x0] =	vst.idx.msk $0xffff, v23;
	v27 =	vadd.f32 v27, v23  }
0x241: {  	v45 =	vor.u32 s12, v14;
	v28 =	vadd.f32 $9.999999770e-03, v28;
	v23 =	vor.u32 s14, v14;
	v38 =	vld.idx.msk [tilespmem:v38+s21+$0x0], $0xffff  }
0x242: {  	v46 =	vadd.s32 s7, v1;
	v33 =	vld.idx.msk [tilespmem:v42+s21+$0x0], $0xffff;
	[tilespmem:v32+s24+$0x0] =	vst.idx.msk $0xffff, v27;
	v26 =	vadd.f32 v26, v27;
	v27 =	vadd.f32 $9.999999770e-03, v29  }
.Ltmp4:
0x243: {  	v36 =	vor.u32 s7, v14;
	v28 =	vadd.f32 v28, v25;
	v25 =	vor.u32 s14, v1;
	(pc) =	sbr.rel @p0 .LBB2_12-.Ltmp4, $4  }
0x244: {  	v30 =	vor.u32 s3, v1;
	v34 =	vadd.f32 $9.999999770e-03, v34;
	[tilespmem:v37+s24+$0x0] =	vst.idx.msk $0xffff, v26;
	v27 =	vadd.f32 v27, v26  }
0x245: {  	v31 =	vor.u32 s3, v14;
	v35 =	vadd.f32 v35, v28;
	v37 =	vadd.f32 $9.999999770e-03, v40;
	[tilespmem:v41+s24+$0x0] =	vst.idx.msk $0xffff, v28;
	v29 =	vld.idx.msk [tilespmem:v43+s21+$0x0], $0xffff  }
0x246: {  	v32 =	vadd.s32 s9, v1;
	v26 =	vor.u32 s11, v14;
	v28 =	vld.idx.msk [tilespmem:v45+s21+$0x0], $0xffff;
	[tilespmem:v39+s24+$0x0] =	vst.idx.msk $0xffff, v27;
	v27 =	vadd.f32 v34, v27  }
0x247: {  	s6 =	smov.u32 s1;
	v37 =	vadd.f32 v37, v35;
	v38 =	vadd.f32 $9.999999770e-03, v38;
	[tilespmem:v46+s24+$0x0] =	vst.idx.msk $0xffff, v35;
	v35 =	vor.u32 s9, v14;
	v34 =	vld.idx.msk [tilespmem:v44+s21+$0x0], $0xffff  }
0x248: {  	_ =	sdelay $0x3  }
0x249: {  	v36 =	vld.idx.msk [tilespmem:v36+s21+$0x0], $0xffff;
	v33 =	vadd.f32 $9.999999770e-03, v33;
	v38 =	vadd.f32 v38, v37  }
0x24a: {  	v39 =	vor.u32 s10, v14;
	v20 =	vld.idx.msk [tilespmem:v20+s21+$0x0], $0xffff;
	[tilespmem:v30+s24+$0x0] =	vst.idx.msk $0xffff, v37  }
0x24b: {  	v30 =	vadd.s32 s11, v1;
	v31 =	vld.idx.msk [tilespmem:v31+s21+$0x0], $0xffff;
	v29 =	vadd.f32 $9.999999770e-03, v29;
	v33 =	vadd.f32 v33, v38  }
0x24c: {  	[tilespmem:v32+s24+$0x0] =	vst.idx.msk $0xffff, v38;
	v28 =	vadd.f32 $9.999999770e-03, v28  }
0x24d: {  	v32 =	vld.idx.msk [tilespmem:v35+s21+$0x0], $0xffff;
	v34 =	vadd.f32 $9.999999770e-03, v34;
	v29 =	vadd.f32 v29, v33  }
0x24e: {  	[tilespmem:v19+s24+$0x0] =	vst.idx.msk $0xffff, v33;
	v19 =	vadd.f32 v28, v27;
	v28 =	vadd.f32 $9.999999770e-03, v36  }
0x24f: {  	v54 =	vadd.s32 s0, v1;
	v20 =	vadd.f32 $9.999999770e-03, v20;
	v33 =	vld.idx.msk [tilespmem:v39+s21+$0x0], $0xffff;
	v34 =	vadd.f32 v34, v29  }
0x250: {  	[tilespmem:v30+s24+$0x0] =	vst.idx.msk $0xffff, v29;
	v29 =	vor.u32 s0, v14;
	v28 =	vadd.f32 v28, v19;
	v30 =	vadd.f32 $9.999999770e-03, v31  }
0x251: {  	v26 =	vld.idx.msk [tilespmem:v26+s21+$0x0], $0xffff;
	v20 =	vadd.f32 v20, v34  }
0x252: {  	[tilespmem:v25+s24+$0x0] =	vst.idx.msk $0xffff, v34;
	v25 =	vadd.f32 v30, v28;
	v30 =	vadd.f32 $9.999999770e-03, v32  }
0x253: {  	v23 =	vld.idx.msk [tilespmem:v23+s21+$0x0], $0xffff  }
0x254: {  	[tilespmem:v54+s24+$0x0] =	vst.idx.msk $0xffff, v20;
	v30 =	vadd.f32 v30, v25;
	v31 =	vadd.f32 $9.999999770e-03, v33  }
0x255: {  	v55 =	vadd.s32 s9, v2;
	v29 =	vld.idx.msk [tilespmem:v29+s21+$0x0], $0xffff  }
0x256: {  	[tilespmem:v24+s24+$0x0] =	vst.idx.msk $0xffff, v27;
	v24 =	vor.u32 s10, v2;
	v27 =	vadd.f32 v31, v30;
	v26 =	vadd.f32 $9.999999770e-03, v26  }
0x257: {  	[tilespmem:v21+s24+$0x0] =	vst.idx.msk $0xffff, v19;
	v19 =	vadd.s32 s11, v2  }
0x258: {  	v21 =	vor.u32 s14, v2;
	[tilespmem:v22+s24+$0x0] =	vst.idx.msk $0xffff, v28;
	v22 =	vadd.f32 v26, v27;
	v23 =	vadd.f32 $9.999999770e-03, v23  }
0x259: {  	[tilespmem:v18+s24+$0x0] =	vst.idx.msk $0xffff, v25;
	v26 =	vadd.s32 s0, v2  }
0x25a: {  	[tilespmem:v55+s24+$0x0] =	vst.idx.msk $0xffff, v30;
	v18 =	vadd.f32 v23, v22;
	v23 =	vadd.f32 $9.999999770e-03, v29  }
0x25b: {  	v30 =	vimm.s32 $0x0;
	[tilespmem:v24+s24+$0x0] =	vst.idx.msk $0xffff, v27  }
0x25c: {  	[tilespmem:v19+s24+$0x0] =	vst.idx.msk $0xffff, v22;
	v22 =	vadd.s32 v1, v30;
	v19 =	vadd.f32 v23, v18  }
0x25d: {  	[tilespmem:v21+s24+$0x0] =	vst.idx.msk $0xffff, v18  }
0x25e: {  	[tilespmem:v26+s24+$0x0] =	vst.idx.msk $0xffff, v19  }
0x25f: {  	[tilespmem:v3+s24+$0x0] =	vst.idx.msk $0xffff, v4  }
0x260: {  	[tilespmem:v5+s24+$0x0] =	vst.idx.msk $0xffff, v4  }
0x261: {  	v23 =	vld.idx.msk [tilespmem:v22+s24+$0x0], $0xffff;
	_ =	sdelay $0x3  }
0x262: {  	v31 =	vimm.f32 $0.0e+00;
	v18 =	vadd.s32 $0x1, v30  }
0x263: {  	vm0 =	vlt.s32 v18, $0x40;
	v22 =	vsub.f32 v23, v31  }
0x264: {  	v21 =	vmul.f32 $1.538461540e-02, v20;
	v18 =	vnsel vm0, $0x40, v18  }
0x265: {  	v24 =	vand.u32 $0xFFFFFF80, v18;
	v25 =	vand.u32 $0x7F, v18;
	(erf) = vrcp.f32 v22  }
0x266: {  	v18 =	vadd.s32 v15, v24;
	v22 =	vmul.f32 $7.692307700e-03, v20;
	v20 =	vmul.f32 v31, v21  }
0x267: {  	v18 =	vor.u32 v25, v18  }
0x268: {  	v20 =	vadd.f32 v20, v22;
	_ =	sdelay $0x1  }
0x269: {  	vm0 =	vle.f32 v23, v20  }
0x26a: {  	vm0 =	vmmov vm0  }
0x26b: {  	v27 =	vld.idx.msk [tilespmem:v18+s20+$0x0], $0xffff;
	v18 =	vsub.f32 v20, v31;
	v20 =	vsel vm0, $0x1, v8  }
0x26c: {  	v26 =	vld.idx.msk [tilespmem:v15+s20+$0x0], $0xffff  }
0x26d: {  	v29 =	vshll.u32 v30, $0x3  }
0x26e: {  	v28 =	vand.u32 $0x7F, v30;
	v29 =	vand.u32 $0xFFFFFC00, v29;
	v56 =	vadd.s32 v20, v30;
	v20 =	vpop (erf)  }
0x26f: {  	v58 =	vor.u32 v28, v29;
	v20 =	vmul.f32 v20, v18  }
0x270: {  	v59 =	vadd.s32 v2, v30;
	v29 =	vadd.s32 v7, v58;
	v57 =	vadd.s32 v1, v56  }
0x271: {  	v28 =	vsub.f32 v27, v26;
	vm1 =	vmneg vm0;
	v20 =	vmax.f32 v20, $0.0e+00  }
0x272: {  	v61 =	vsel vm0, v23, v31;
	v23 =	vsel vm0, $0x0, v6;
	v20 =	vmin.f32 v20, $1.000000000e+00  }
0x273: {  	v24 =	vadd.s32 v14, v24;
	v63 =	vadd.f32 v23, v31;
	v20 =	vmul.f32 v20, v28  }
0x274: {  	v24 =	vor.u32 v25, v24;
	v27 =	vsel vm0, v27, v26;
	v40 =	vsel vm1, $0x1, v8  }
0x275: {  	v60 =	vadd.s32 $0x1, v56;
	v49 =	vmul.f32 v63, v21;
	v28 =	vld.idx.msk [tilespmem:v57+s24+$0x0], $0xffff;
	v23 =	vadd.f32 v20, v26  }
0x276: {  	v41 =	vadd.s32 v40, v30;
	v18 =	vmul.f32 $7.692307700e-03, v19;
	v19 =	vmul.f32 $1.538461540e-02, v19  }
0x277: {  	vm2 =	vlt.s32 v60, $0x40;
	v40 =	vadd.f32 v49, v22;
	v20 =	vld.idx.msk [tilespmem:v14+s20+$0x0], $0xffff;
	[tilespmem:v29+s25+$0x0] =	vst.idx.msk vm1, v23  }
0x278: {  	v50 =	vshll.u32 v41, $0x3;
	v62 =	vnsel vm2, $0x40, v60;
	v47 =	vmul.f32 v31, v19;
	v35 =	vld.idx.msk [tilespmem:v59+s24+$0x0], $0xffff  }
0x279: {  	v48 =	vand.u32 $0xFFFFFF80, v62;
	v33 =	vand.u32 $0x7F, v62;
	v37 =	vsub.f32 v40, v61  }
0x27a: {  	v38 =	vadd.f32 v47, v18;
	v23 =	vadd.s32 v15, v48;
	v42 =	vsub.f32 v28, v61  }
0x27b: {  	v29 =	vand.u32 $0x7F, v41;
	v33 =	vor.u32 v33, v23;
	vm1 =	vle.f32 v28, v40;
	v24 =	vld.idx.msk [tilespmem:v24+s20+$0x0], $0xffff  }
0x27c: {  	v23 =	vand.u32 $0xFFFFFC00, v50;
	vm2 =	vmmov vm1;
	(erf) = vrcp.f32 v42  }
0x27d: {  	v39 =	vor.u32 v29, v23;
	vm4 =	vmneg vm2;
	v23 =	vsub.f32 v35, v31  }
0x27e: {  	v29 =	vsel vm2, v28, v61;
	v39 =	vadd.s32 v7, v39;
	v49 =	vsel vm4, $0x1, v8  }
0x27f: {  	v59 =	vsel vm2, $0x0, v6;
	v36 =	vadd.s32 v49, v41;
	(erf) = vrcp.f32 v23  }
0x280: {  	vm0 =	vle.f32 v35, v38;
	v38 =	vsub.f32 v38, v31;
	v43 =	vsub.f32 v24, v20  }
0x281: {  	v62 =	vand.u32 $0x7F, v36;
	v25 =	vsel vm0, $0x1, v8;
	v51 =	vsel vm0, $0x0, v6  }
0x282: {  	v26 =	vsel vm0, v35, v31;
	v28 =	vadd.s32 v25, v30;
	v25 =	vadd.f32 v51, v31  }
0x283: {  	v33 =	vld.idx.msk [tilespmem:v33+s20+$0x0], $0xffff;
	v23 =	vadd.s32 v9, v58;
	v31 =	vsel vm2, $0x1, v8;
	v52 =	vadd.s32 $0x1, v28  }
0x284: {  	v53 =	vadd.s32 v2, v28;
	v31 =	vadd.s32 v31, v56;
	vm1 =	vlt.s32 v52, $0x40  }
0x285: {  	v56 =	vadd.s32 $0x1, v31;
	v44 =	vadd.s32 v1, v31;
	v35 =	vnsel vm1, $0x40, v52;
	v55 =	vpop (erf)  }
0x286: {  	v46 =	vand.u32 $0x7F, v35;
	v54 =	vand.u32 $0xFFFFFF80, v35;
	v35 =	vmul.f32 v55, v37  }
0x287: {  	v34 =	vmul.f32 v25, v19;
	vm1 =	vmneg vm0;
	vm3 =	vlt.s32 v56, $0x40  }
0x288: {  	v45 =	vsub.f32 v33, v27;
	v57 =	vsel vm1, $0x1, v8;
	v35 =	vmax.f32 v35, $0.0e+00;
	v58 =	vpop (erf)  }
0x289: {  	v40 =	vnsel vm3, $0x40, v56;
	v35 =	vmin.f32 v35, $1.000000000e+00;
	v38 =	vmul.f32 v58, v38  }
0x28a: {  	v47 =	vand.u32 $0xFFFFFF80, v40;
	v45 =	vmul.f32 v35, v45;
	v35 =	vadd.f32 v59, v63  }
0x28b: {  	v48 =	vand.u32 $0x7F, v40;
	v30 =	vadd.s32 v57, v30;
	v40 =	vld.idx.msk [tilespmem:v44+s24+$0x0], $0xffff;
	v38 =	vmax.f32 v38, $0.0e+00  }
0x28c: {  	v60 =	vadd.f32 v45, v27;
	v61 =	vmul.f32 v35, v21;
	v38 =	vmin.f32 v38, $1.000000000e+00  }
0x28d: {  	v32 =	vadd.s32 v14, v54;
	v47 =	vadd.s32 v15, v47;
	v38 =	vmul.f32 v38, v43  }
0x28e: {  	v49 =	vshll.u32 v36, $0x3;
	v42 =	vor.u32 v46, v32;
	[tilespmem:v39+s25+$0x0] =	vst.idx.msk vm4, v60;
	v39 =	vadd.f32 v61, v22  }
0x28f: {  	v37 =	vmovc v29;
	v44 =	vor.u32 v48, v47;
	v63 =	vand.u32 $0xFFFFFC00, v49;
	v43 =	vld.idx.msk [tilespmem:v53+s24+$0x0], $0xffff;
	v38 =	vadd.f32 v38, v20  }
0x290: {  	s0 =	simm.s32 $0x7F;
	v32 =	vmovc v26;
	v41 =	vor.u32 v62, v63;
	v45 =	vsub.f32 v40, v29;
	vm4 =	vle.f32 v40, v39  }
.LBB2_14:
0x291: {  	p0 =	sne.s32 s0, $0x1;
	s0 =	sadd.s32 $0xFFFFFFFF, s0;
	v46 =	vand.u32 $0x7F, v30;
	v47 =	vshll.u32 v30, $0x3;
	[tilespmem:v23+s25+$0x0] =	vst.idx.msk vm1, v38;
	v20 =	vsel vm0, v24, v20  }
0x292: {  	v38 =	vadd.f32 v34, v18;
	(erf) = vrcp.f32 v45;
	v23 =	vand.u32 $0xFFFFFC00, v47  }
0x293: {  	v27 =	vsel vm2, v33, v27;
	vm2 =	vmmov vm4;
	v23 =	vor.u32 v46, v23  }
0x294: {  	v29 =	vsel vm2, v40, v29;
	vm0 =	vle.f32 v43, v38;
	v33 =	vsub.f32 v43, v26  }
0x295: {  	v34 =	vsel vm0, $0x1, v8;
	v26 =	vsel vm0, v43, v26;
	v40 =	vsel vm0, $0x0, v6;
	v24 =	vld.idx.msk [tilespmem:v42+s20+$0x0], $0xffff  }
0x296: {  	v28 =	vadd.s32 v34, v28;
	v25 =	vadd.f32 v40, v25;
	(erf) = vrcp.f32 v33  }
0x297: {  	v23 =	vadd.s32 v9, v23;
	v40 =	vadd.s32 $0x1, v28;
	v42 =	vadd.s32 v2, v28  }
0x298: {  	v41 =	vadd.s32 v7, v41;
	v34 =	vmul.f32 v25, v19;
	vm1 =	vlt.s32 v40, $0x40;
	v33 =	vld.idx.msk [tilespmem:v44+s20+$0x0], $0xffff  }
0x299: {  	v38 =	vsub.f32 v38, v32;
	v32 =	vmovc v26;
	v44 =	vnsel vm1, $0x40, v40;
	vm1 =	vmneg vm0  }
0x29a: {  	v39 =	vsub.f32 v39, v37;
	v37 =	vmovc v29;
	v43 =	vsel vm2, $0x1, v8;
	v46 =	vand.u32 $0x7F, v44  }
0x29b: {  	v31 =	vadd.s32 v43, v31;
	v45 =	vand.u32 $0xFFFFFF80, v44;
	v43 =	vsub.f32 v24, v20;
	v40 =	vpop (erf)  }
0x29c: {  	v47 =	vadd.s32 v1, v31;
	v44 =	vadd.s32 $0x1, v31;
	v39 =	vmul.f32 v40, v39  }
0x29d: {  	vm4 =	vmneg vm2;
	v48 =	vsel vm1, $0x1, v8;
	vm3 =	vlt.s32 v44, $0x40  }
0x29e: {  	v51 =	vnsel vm3, $0x40, v44;
	v44 =	vsub.f32 v33, v27;
	v39 =	vmax.f32 v39, $0.0e+00  }
0x29f: {  	v49 =	vand.u32 $0xFFFFFF80, v51;
	v50 =	vand.u32 $0x7F, v51;
	v39 =	vmin.f32 v39, $1.000000000e+00;
	v40 =	vpop (erf)  }
0x2a0: {  	v39 =	vmul.f32 v39, v44;
	v44 =	vsel vm2, $0x0, v6;
	v38 =	vmul.f32 v40, v38  }
0x2a1: {  	v40 =	vld.idx.msk [tilespmem:v47+s24+$0x0], $0xffff;
	v47 =	vadd.s32 v15, v49;
	v49 =	vsel vm4, $0x1, v8;
	v35 =	vadd.f32 v44, v35  }
0x2a2: {  	v39 =	vadd.f32 v39, v27;
	v36 =	vadd.s32 v49, v36;
	v38 =	vmax.f32 v38, $0.0e+00  }
.Ltmp5:
0x2a3: {  	v44 =	vmul.f32 v35, v21;
	v49 =	vand.u32 $0x7F, v36;
	v38 =	vmin.f32 v38, $1.000000000e+00;
	(pc) =	sbr.rel @p0 .LBB2_14-.Ltmp5, $4  }
0x2a4: {  	v30 =	vadd.s32 v48, v30;
	v51 =	vshll.u32 v36, $0x3;
	[tilespmem:v41+s25+$0x0] =	vst.idx.msk vm4, v39;
	v38 =	vmul.f32 v38, v43  }
0x2a5: {  	v41 =	vand.u32 $0xFFFFFC00, v51;
	v39 =	vadd.f32 v44, v22;
	v44 =	vor.u32 v50, v47;
	v43 =	vld.idx.msk [tilespmem:v42+s24+$0x0], $0xffff  }
0x2a6: {  	v41 =	vor.u32 v49, v41;
	v42 =	vadd.s32 v14, v45;
	v38 =	vadd.f32 v38, v20  }
0x2a7: {  	v45 =	vsub.f32 v40, v29;
	v42 =	vor.u32 v46, v42;
	vm4 =	vle.f32 v40, v39  }
0x2a8: {  	_ = 	snop  }
0x2a9: {  	(erf) = vrcp.f32 v45;
	_ =	sdelay $0x6  }
0x2aa: {  	v21 =	vld.idx.msk [tilespmem:v44+s20+$0x0], $0xffff  }
0x2ab: {  	v29 =	vsub.f32 v39, v37  }
0x2ac: {  	v22 =	vadd.f32 v34, v18;
	v31 =	vpop (erf)  }
0x2ad: {  	vm10 =	vmmov vm4;
	v29 =	vmul.f32 v31, v29  }
0x2ae: {  	v27 =	vsel vm2, v33, v27;
	vm2 =	vmneg vm10;
	vm3 =	vle.f32 v43, v22  }
0x2af: {  	v21 =	vsub.f32 v21, v27;
	v31 =	vsel vm3, $0x1, v8;
	v29 =	vmax.f32 v29, $0.0e+00  }
0x2b0: {  	v28 =	vadd.s32 v31, v28;
	v31 =	vadd.s32 v7, v41;
	v29 =	vmin.f32 v29, $1.000000000e+00  }
0x2b1: {  	v37 =	vadd.s32 v2, v28;
	v21 =	vmul.f32 v29, v21;
	_ =	sdelay $0x1  }
0x2b2: {  	v21 =	vadd.f32 v21, v27;
	_ =	sdelay $0x1  }
0x2b3: {  	[tilespmem:v31+s25+$0x0] =	vst.idx.msk vm2, v21  }
0x2b4: {  	v21 =	vld.idx.msk [tilespmem:v37+s24+$0x0], $0xffff  }
0x2b5: {  	v27 =	vsub.f32 v43, v26;
	_ =	sdelay $0x1  }
0x2b6: {  	(erf) = vrcp.f32 v27  }
0x2b7: {  	v26 =	vsel vm3, v43, v26;
	v27 =	vadd.s32 $0x1, v28  }
0x2b8: {  	vm11 =	vlt.s32 v27, $0x40;
	v28 =	vsub.f32 v21, v26  }
0x2b9: {  	v27 =	vnsel vm11, $0x40, v27  }
0x2ba: {  	v29 =	vand.u32 $0xFFFFFF80, v27;
	(erf) = vrcp.f32 v28  }
0x2bb: {  	v27 =	vand.u32 $0x7F, v27;
	v29 =	vadd.s32 v14, v29;
	v28 =	vsel vm3, $0x0, v6  }
0x2bc: {  	v27 =	vor.u32 v27, v29;
	v25 =	vadd.f32 v28, v25;
	v28 =	vand.u32 $0x7F, v30  }
0x2bd: {  	v31 =	vld.idx.msk [tilespmem:v42+s20+$0x0], $0xffff;
	v29 =	vshll.u32 v30, $0x3  }
0x2be: {  	v22 =	vsub.f32 v22, v32;
	v29 =	vand.u32 $0xFFFFFC00, v29;
	v19 =	vmul.f32 v25, v19  }
0x2bf: {  	v25 =	vor.u32 v28, v29;
	v28 =	vpop (erf)  }
0x2c0: {  	vm12 =	vmneg vm3;
	v22 =	vmul.f32 v28, v22;
	v18 =	vadd.f32 v19, v18  }
0x2c1: {  	v19 =	vsel vm0, v24, v20;
	v20 =	vadd.s32 v9, v25;
	v24 =	vsel vm12, $0x1, v8;
	v25 =	vld.idx.msk [tilespmem:v27+s20+$0x0], $0xffff  }
0x2c2: {  	v24 =	vadd.s32 v24, v30;
	v27 =	vsub.f32 v31, v19;
	v26 =	vsub.f32 v18, v26  }
0x2c3: {  	v22 =	vmax.f32 v22, $0.0e+00;
	v28 =	vshll.u32 v24, $0x3;
	v24 =	vand.u32 $0x7F, v24;
	v29 =	vpop (erf)  }
0x2c4: {  	vm13 =	vle.f32 v21, v18;
	v22 =	vmin.f32 v22, $1.000000000e+00;
	v26 =	vmul.f32 v29, v26  }
0x2c5: {  	v28 =	vand.u32 $0xFFFFFC00, v28;
	vm0 =	vmneg vm13;
	v29 =	vsel vm3, v31, v19  }
0x2c6: {  	v24 =	vor.u32 v24, v28;
	v18 =	vsub.f32 v25, v29;
	v21 =	vmax.f32 v26, $0.0e+00  }
0x2c7: {  	v22 =	vmul.f32 v22, v27;
	v24 =	vadd.s32 v9, v24;
	v21 =	vmin.f32 v21, $1.000000000e+00  }
0x2c8: {  	v18 =	vmul.f32 v21, v18  }
0x2c9: {  	v19 =	vadd.f32 v22, v19  }
0x2ca: {  	[tilespmem:v23+s25+$0x0] =	vst.idx.msk vm1, v38;
	v21 =	vor.u32 $0x40, v15;
	v18 =	vadd.f32 v18, v29  }
0x2cb: {  	[tilespmem:v20+s25+$0x0] =	vst.idx.msk vm12, v19  }
0x2cc: {  	[tilespmem:v24+s25+$0x0] =	vst.idx.msk vm0, v18  }
0x2cd: {  	v19 =	vld.idx.msk [tilespmem:v17+s22+$0x0], $0xffff  }
0x2ce: {  	v18 =	vld.idx.msk [tilespmem:v17+s23+$0x0], $0xffff  }
0x2cf: {  	v21 =	vld.idx.msk [tilespmem:v21+s20+$0x0], $0xffff  }
0x2d0: {  	v22 =	vld.idx.msk [tilespmem:v10+s25+$0x0], $0xffff;
	_ =	sdelay $0x2  }
0x2d1: {  	v17 =	vshll.u32 v17, $0x8  }
0x2d2: {  	v23 =	vand.u32 $0x6800, v17;
	v20 =	vsub.f32 v18, v19  }
0x2d3: {  	v17 =	vmax.f32 v21, v22;
	v18 =	vor.u32 v13, v23  }
0x2d4: {  	v21 =	vmul.f32 v17, v20  }
0x2d5: {  	v22 =	vor.u32 $0x40, v14  }
0x2d6: {  	v21 =	vadd.f32 v21, v19  }
0x2d7: {  	v24 =	vld.idx.msk [tilespmem:v16+s23+$0x0], $0xffff  }
0x2d8: {  	v17 =	vld.idx.msk [tilespmem:v16+s22+$0x0], $0xffff;
	[tilespmem:v18+s26+$0x0] =	vst.idx.msk $0xffff, v21  }
0x2d9: {  	[tilespmem:v10+s25+$0x0] =	vst.idx.msk $0xffff, v4  }
0x2da: {  	v21 =	vld.idx.msk [tilespmem:v22+s20+$0x0], $0xffff  }
0x2db: {  	v22 =	vld.idx.msk [tilespmem:v12+s25+$0x0], $0xffff;
	_ =	sdelay $0x3  }
0x2dc: {  	v16 =	vshll.u32 v16, $0x8;
	v18 =	vsub.f32 v24, v17;
	v24 =	vimm.s32 $0x0  }
0x2dd: {  	v25 =	vand.u32 $0xFFFFFF80, v24;
	v21 =	vmax.f32 v21, v22;
	v22 =	vand.u32 $0x7FFFF800, v16  }
0x2de: {  	v26 =	vshll.u32 v24, $0x3;
	v27 =	vand.u32 $0x7F, v24;
	v16 =	vor.u32 v13, v22  }
0x2df: {  	v28 =	vadd.s32 v15, v25;
	v26 =	vand.u32 $0xFFFFFC00, v26;
	v21 =	vmul.f32 v21, v18  }
0x2e0: {  	v28 =	vor.u32 v27, v28;
	v26 =	vor.u32 v27, v26  }
0x2e1: {  	v29 =	vadd.s32 v7, v26;
	v21 =	vadd.f32 v21, v17;
	_ =	sdelay $0x1  }
0x2e2: {  	[tilespmem:v16+s26+$0x0] =	vst.idx.msk $0xffff, v21  }
0x2e3: {  	[tilespmem:v12+s25+$0x0] =	vst.idx.msk $0xffff, v4  }
0x2e4: {  	v21 =	vld.idx.msk [tilespmem:v28+s20+$0x0], $0xffff  }
0x2e5: {  	v28 =	vld.idx.msk [tilespmem:v29+s25+$0x0], $0xffff;
	_ =	sdelay $0x4  }
0x2e6: {  	vm14 =	vlt.f32 v21, v28  }
0x2e7: {  	vm15 =	vmneg vm14;
	v16 =	vsel vm14, $0x1, v8  }
0x2e8: {  	v29 =	vadd.s32 v16, v24;
	v16 =	vsel vm15, $0x1, v8  }
0x2e9: {  	v30 =	vadd.s32 v16, v24  }
0x2ea: {  	v16 =	vand.u32 $0xFFFFFF80, v29;
	v39 =	vand.u32 $0x7F, v29;
	v31 =	vshll.u32 v30, $0x3  }
0x2eb: {  	v16 =	vadd.s32 v15, v16;
	v38 =	vand.u32 $0x7F, v30;
	v31 =	vand.u32 $0xFFFFFC00, v31  }
0x2ec: {  	v33 =	vor.u32 v39, v16;
	v16 =	vor.u32 v38, v31  }
0x2ed: {  	v31 =	vadd.s32 v7, v16;
	_ =	sdelay $0x2  }
0x2ee: {  	s0 =	simm.s32 $0x0;
	v16 =	vor.u32 v11, v23  }
0x2ef: {  	v25 =	vadd.s32 v14, v25;
	v21 =	vmin.f32 v21, v28;
	v23 =	vor.u32 s0, v16;
	v28 =	vld.idx.msk [tilespmem:v33+s20+$0x0], $0xffff  }
0x2f0: {  	v25 =	vor.u32 v27, v25;
	v21 =	vmul.f32 v21, v20;
	v27 =	vld.idx.msk [tilespmem:v31+s25+$0x0], $0xffff  }
0x2f1: {  	v26 =	vadd.s32 v9, v26  }
0x2f2: {  	v21 =	vadd.f32 v21, v19;
	_ =	sdelay $0x1  }
0x2f3: {  	[tilespmem:v23+s26+$0x0] =	vst.idx.msk $0xffff, v21  }
0x2f4: {  	v21 =	vld.idx.msk [tilespmem:v25+s20+$0x0], $0xffff;
	vm4 =	vlt.f32 v28, v27  }
0x2f5: {  	v23 =	vld.idx.msk [tilespmem:v26+s25+$0x0], $0xffff;
	vm5 =	vmneg vm4  }
0x2f6: {  	v25 =	vsel vm4, $0x1, v8;
	v26 =	vsel vm5, $0x1, v8  }
0x2f7: {  	v25 =	vadd.s32 v25, v29;
	v26 =	vadd.s32 v26, v30  }
0x2f8: {  	v29 =	vand.u32 $0xFFFFFF80, v25;
	v30 =	vand.u32 $0x7F, v25;
	v31 =	vshll.u32 v26, $0x3  }
0x2f9: {  	v29 =	vadd.s32 v15, v29;
	v40 =	vand.u32 $0x7F, v26;
	v31 =	vand.u32 $0xFFFFFC00, v31  }
0x2fa: {  	vm6 =	vlt.f32 v21, v23;
	v29 =	vor.u32 v30, v29;
	v30 =	vor.u32 v40, v31  }
0x2fb: {  	vm7 =	vmneg vm6;
	v30 =	vadd.s32 v7, v30  }
0x2fc: {  	s1 =	simm.s32 $0x1;
	v27 =	vmin.f32 v28, v27;
	v28 =	vsel vm6, $0x1, v8;
	v31 =	vsel vm7, $0x1, v8  }
0x2fd: {  	v41 =	vor.u32 s1, v16;
	v28 =	vadd.s32 v28, v24;
	v24 =	vadd.s32 v31, v24  }
0x2fe: {  	v42 =	vand.u32 $0x7F, v28;
	v31 =	vand.u32 $0xFFFFFF80, v28;
	v43 =	vshll.u32 v24, $0x3  }
0x2ff: {  	v31 =	vadd.s32 v14, v31;
	v35 =	vand.u32 $0x7F, v24;
	v34 =	vand.u32 $0xFFFFFC00, v43;
	v29 =	vld.idx.msk [tilespmem:v29+s20+$0x0], $0xffff  }
0x300: {  	v27 =	vmul.f32 v27, v20;
	v31 =	vor.u32 v42, v31;
	v44 =	vor.u32 v35, v34;
	v30 =	vld.idx.msk [tilespmem:v30+s25+$0x0], $0xffff  }
0x301: {  	v33 =	vadd.s32 v9, v44  }
0x302: {  	v27 =	vadd.f32 v27, v19;
	_ =	sdelay $0x1  }
0x303: {  	[tilespmem:v41+s26+$0x0] =	vst.idx.msk $0xffff, v27  }
0x304: {  	v27 =	vld.idx.msk [tilespmem:v31+s20+$0x0], $0xffff;
	vm8 =	vlt.f32 v29, v30  }
0x305: {  	v31 =	vld.idx.msk [tilespmem:v33+s25+$0x0], $0xffff;
	vm9 =	vmneg vm8  }
0x306: {  	v45 =	vsel vm8, $0x1, v8;
	v46 =	vsel vm9, $0x1, v8  }
0x307: {  	v25 =	vadd.s32 v45, v25;
	v26 =	vadd.s32 v46, v26  }
0x308: {  	v32 =	vand.u32 $0xFFFFFF80, v25;
	v47 =	vand.u32 $0x7F, v25;
	v48 =	vshll.u32 v26, $0x3  }
0x309: {  	v32 =	vadd.s32 v15, v32;
	v49 =	vand.u32 $0x7F, v26;
	v34 =	vand.u32 $0xFFFFFC00, v48  }
0x30a: {  	vm10 =	vlt.f32 v27, v31;
	v32 =	vor.u32 v47, v32;
	v50 =	vor.u32 v49, v34  }
0x30b: {  	s2 =	simm.s32 $0x2;
	vm11 =	vmneg vm10;
	v33 =	vadd.s32 v7, v50  }
0x30c: {  	v36 =	vor.u32 s2, v16;
	v51 =	vsel vm10, $0x1, v8;
	v52 =	vsel vm11, $0x1, v8  }
0x30d: {  	v29 =	vmin.f32 v29, v30;
	v28 =	vadd.s32 v51, v28;
	v30 =	vadd.s32 v52, v24  }
0x30e: {  	v24 =	vand.u32 $0xFFFFFF80, v28;
	v53 =	vand.u32 $0x7F, v28;
	v54 =	vshll.u32 v30, $0x3  }
0x30f: {  	v24 =	vadd.s32 v14, v24;
	v55 =	vand.u32 $0x7F, v30;
	v35 =	vand.u32 $0xFFFFFC00, v54;
	v32 =	vld.idx.msk [tilespmem:v32+s20+$0x0], $0xffff  }
0x310: {  	v29 =	vmul.f32 v29, v20;
	v24 =	vor.u32 v53, v24;
	v56 =	vor.u32 v55, v35;
	v33 =	vld.idx.msk [tilespmem:v33+s25+$0x0], $0xffff  }
0x311: {  	v23 =	vmin.f32 v21, v23;
	v34 =	vadd.s32 v9, v56  }
0x312: {  	s10 =	simm.s32 $0x3;
	v21 =	vor.u32 v11, v22;
	v22 =	vmul.f32 v23, v18;
	v23 =	vadd.f32 v29, v19  }
0x313: {  	v62 =	vor.u32 s10, v16  }
0x314: {  	v57 =	vor.u32 s1, v21;
	v61 =	vor.u32 s2, v21;
	v27 =	vmin.f32 v27, v31;
	[tilespmem:v36+s26+$0x0] =	vst.idx.msk $0xffff, v23  }
0x315: {  	v23 =	vmul.f32 v27, v18;
	v27 =	vld.idx.msk [tilespmem:v24+s20+$0x0], $0xffff;
	vm12 =	vlt.f32 v32, v33;
	v24 =	vmin.f32 v32, v33  }
0x316: {  	v31 =	vld.idx.msk [tilespmem:v34+s25+$0x0], $0xffff;
	vm13 =	vmneg vm12;
	v32 =	vmul.f32 v24, v20;
	v24 =	vsel vm12, $0x1, v8  }
0x317: {  	v22 =	vadd.f32 v22, v17;
	v24 =	vadd.s32 v24, v25;
	v25 =	vsel vm13, $0x1, v8  }
0x318: {  	v29 =	vor.u32 s0, v21;
	v23 =	vadd.f32 v23, v17;
	v25 =	vadd.s32 v25, v26  }
0x319: {  	v58 =	vand.u32 $0xFFFFFF80, v24;
	v26 =	vand.u32 $0x7F, v24;
	v59 =	vshll.u32 v25, $0x3  }
0x31a: {  	v33 =	vadd.s32 v15, v58;
	v60 =	vand.u32 $0x7F, v25;
	v34 =	vand.u32 $0xFFFFFC00, v59  }
0x31b: {  	vm14 =	vlt.f32 v27, v31;
	v33 =	vor.u32 v26, v33;
	v26 =	vor.u32 v60, v34  }
0x31c: {  	v32 =	vadd.f32 v32, v19;
	vm15 =	vmneg vm14;
	v36 =	vadd.s32 v7, v26  }
0x31d: {  	v26 =	vmin.f32 v27, v31;
	v27 =	vsel vm14, $0x1, v8;
	v31 =	vsel vm15, $0x1, v8  }
0x31e: {  	v63 =	vmul.f32 v26, v18;
	v27 =	vadd.s32 v27, v28;
	v26 =	vadd.s32 v31, v30  }
0x31f: {  	[tilespmem:v29+s26+$0x0] =	vst.idx.msk $0xffff, v22;
	v22 =	vand.u32 $0xFFFFFF80, v27;
	v30 =	vand.u32 $0x7F, v27;
	v28 =	vshll.u32 v26, $0x3  }
0x320: {  	[tilespmem:v57+s26+$0x0] =	vst.idx.msk $0xffff, v23;
	v23 =	vand.u32 $0x7F, v26;
	v29 =	vand.u32 $0xFFFFFC00, v28;
	v28 =	vld.idx.msk [tilespmem:v33+s20+$0x0], $0xffff;
	v22 =	vadd.s32 v14, v22  }
0x321: {  	v31 =	vadd.f32 v63, v17;
	v23 =	vor.u32 v23, v29;
	v22 =	vor.u32 v30, v22;
	v29 =	vld.idx.msk [tilespmem:v36+s25+$0x0], $0xffff  }
0x322: {  	[tilespmem:v62+s26+$0x0] =	vst.idx.msk $0xffff, v32;
	v23 =	vadd.s32 v9, v23  }
0x323: {  	s9 =	simm.s32 $0x4;
	s0 =	simm.s32 $0x8;
	[tilespmem:v61+s26+$0x0] =	vst.idx.msk $0xffff, v31  }
.LBB2_16:
0x324: {  	_ = 	snop  }
0x325: {  	p0 =	slt.u32 s0, $0x7C;
	s11 =	smov.u32 s0;
	s0 =	sadd.s32 $0x4, s0  }
0x326: {  	vm0 =	vlt.f32 v28, v29;
	v28 =	vmin.f32 v28, v29;
	v29 =	vor.u32 s9, v16;
	v22 =	vld.idx.msk [tilespmem:v22+s20+$0x0], $0xffff  }
0x327: {  	vm1 =	vmneg vm0;
	v28 =	vmul.f32 v28, v20;
	v30 =	vsel vm0, $0x1, v8;
	v23 =	vld.idx.msk [tilespmem:v23+s25+$0x0], $0xffff  }
0x328: {  	v24 =	vadd.s32 v30, v24;
	v30 =	vsel vm1, $0x1, v8  }
0x329: {  	v28 =	vadd.f32 v28, v19;
	v25 =	vadd.s32 v30, v25;
	v30 =	vand.u32 $0xFFFFFF80, v24  }
0x32a: {  	v30 =	vadd.s32 v15, v30;
	v31 =	vand.u32 $0x7F, v25;
	v32 =	vshll.u32 v25, $0x3  }
0x32b: {  	[tilespmem:v29+s26+$0x0] =	vst.idx.msk $0xffff, v28;
	v28 =	vand.u32 $0x7F, v24;
	v29 =	vand.u32 $0xFFFFFC00, v32  }
0x32c: {  	v28 =	vor.u32 v28, v30;
	v29 =	vor.u32 v31, v29  }
0x32d: {  	vm0 =	vlt.f32 v22, v23;
	v22 =	vmin.f32 v22, v23;
	v29 =	vadd.s32 v7, v29  }
0x32e: {  	vm1 =	vmneg vm0;
	v22 =	vmul.f32 v22, v18;
	v23 =	vsel vm0, $0x1, v8  }
0x32f: {  	v30 =	vor.u32 s10, v21;
	v23 =	vadd.s32 v23, v27;
	v27 =	vsel vm1, $0x1, v8  }
0x330: {  	v31 =	vand.u32 $0xFFFFFF80, v23;
	v32 =	vand.u32 $0x7F, v23;
	v26 =	vadd.s32 v27, v26  }
0x331: {  	v27 =	vadd.s32 v14, v31;
	v31 =	vand.u32 $0x7F, v26;
	v33 =	vshll.u32 v26, $0x3;
	v28 =	vld.idx.msk [tilespmem:v28+s20+$0x0], $0xffff  }
0x332: {  	v22 =	vadd.f32 v22, v17;
	v27 =	vor.u32 v32, v27;
	v32 =	vand.u32 $0xFFFFFC00, v33;
	v29 =	vld.idx.msk [tilespmem:v29+s25+$0x0], $0xffff  }
0x333: {  	v31 =	vor.u32 v31, v32  }
0x334: {  	v31 =	vadd.s32 v9, v31;
	[tilespmem:v30+s26+$0x0] =	vst.idx.msk $0xffff, v22;
	_ =	sdelay $0x2  }
0x335: {  	s1 =	sadd.s32 $0x1, s9;
	v22 =	vld.idx.msk [tilespmem:v27+s20+$0x0], $0xffff  }
0x336: {  	vm0 =	vlt.f32 v28, v29;
	v27 =	vmin.f32 v28, v29;
	v28 =	vor.u32 s1, v16  }
0x337: {  	vm1 =	vmneg vm0;
	v27 =	vmul.f32 v27, v20;
	v30 =	vsel vm0, $0x1, v8;
	v29 =	vld.idx.msk [tilespmem:v31+s25+$0x0], $0xffff  }
0x338: {  	v24 =	vadd.s32 v30, v24;
	v30 =	vsel vm1, $0x1, v8  }
0x339: {  	v27 =	vadd.f32 v27, v19;
	v25 =	vadd.s32 v30, v25;
	v30 =	vand.u32 $0xFFFFFF80, v24  }
0x33a: {  	v31 =	vand.u32 $0x7F, v24;
	v30 =	vadd.s32 v15, v30;
	v32 =	vshll.u32 v25, $0x3  }
0x33b: {  	v33 =	vor.u32 s9, v21;
	[tilespmem:v28+s26+$0x0] =	vst.idx.msk $0xffff, v27;
	v27 =	vand.u32 $0x7F, v25;
	v28 =	vand.u32 $0xFFFFFC00, v32  }
0x33c: {  	v30 =	vor.u32 v31, v30;
	v27 =	vor.u32 v27, v28  }
0x33d: {  	vm0 =	vlt.f32 v22, v29;
	v27 =	vadd.s32 v7, v27  }
0x33e: {  	v22 =	vmin.f32 v22, v29;
	vm1 =	vmneg vm0;
	v28 =	vsel vm0, $0x1, v8  }
0x33f: {  	v23 =	vadd.s32 v28, v23;
	v28 =	vsel vm1, $0x1, v8  }
0x340: {  	v26 =	vadd.s32 v28, v26;
	v28 =	vand.u32 $0xFFFFFF80, v23;
	v29 =	vand.u32 $0x7F, v23  }
0x341: {  	v22 =	vmul.f32 v22, v18;
	v28 =	vadd.s32 v14, v28;
	v31 =	vshll.u32 v26, $0x3;
	v30 =	vld.idx.msk [tilespmem:v30+s20+$0x0], $0xffff  }
0x342: {  	v28 =	vor.u32 v29, v28;
	v29 =	vand.u32 $0x7F, v26;
	v31 =	vand.u32 $0xFFFFFC00, v31;
	v27 =	vld.idx.msk [tilespmem:v27+s25+$0x0], $0xffff  }
0x343: {  	v22 =	vadd.f32 v22, v17;
	v29 =	vor.u32 v29, v31  }
0x344: {  	v29 =	vadd.s32 v9, v29  }
0x345: {  	[tilespmem:v33+s26+$0x0] =	vst.idx.msk $0xffff, v22;
	_ =	sdelay $0x1  }
0x346: {  	v22 =	vld.idx.msk [tilespmem:v28+s20+$0x0], $0xffff  }
0x347: {  	vm0 =	vlt.f32 v30, v27;
	v27 =	vmin.f32 v30, v27  }
0x348: {  	vm1 =	vmneg vm0;
	v27 =	vmul.f32 v27, v20;
	v28 =	vld.idx.msk [tilespmem:v29+s25+$0x0], $0xffff;
	v29 =	vsel vm0, $0x1, v8  }
0x349: {  	v24 =	vadd.s32 v29, v24;
	v29 =	vsel vm1, $0x1, v8  }
0x34a: {  	v27 =	vadd.f32 v27, v19;
	v25 =	vadd.s32 v29, v25;
	v29 =	vand.u32 $0xFFFFFF80, v24  }
0x34b: {  	v30 =	vand.u32 $0x7F, v24;
	v29 =	vadd.s32 v15, v29;
	v31 =	vshll.u32 v25, $0x3  }
0x34c: {  	v32 =	vor.u32 s1, v21;
	v33 =	vand.u32 $0x7F, v25;
	v31 =	vand.u32 $0xFFFFFC00, v31  }
0x34d: {  	v29 =	vor.u32 v30, v29;
	v30 =	vor.u32 v33, v31  }
0x34e: {  	vm0 =	vlt.f32 v22, v28;
	v30 =	vadd.s32 v7, v30  }
0x34f: {  	v22 =	vmin.f32 v22, v28;
	vm1 =	vmneg vm0;
	v28 =	vsel vm0, $0x1, v8  }
0x350: {  	v23 =	vadd.s32 v28, v23;
	v28 =	vsel vm1, $0x1, v8  }
0x351: {  	s1 =	sadd.s32 $0x2, s9;
	v26 =	vadd.s32 v28, v26;
	v28 =	vand.u32 $0xFFFFFF80, v23;
	v31 =	vand.u32 $0x7F, v23  }
0x352: {  	v22 =	vmul.f32 v22, v18;
	v28 =	vadd.s32 v14, v28;
	v33 =	vshll.u32 v26, $0x3;
	v29 =	vld.idx.msk [tilespmem:v29+s20+$0x0], $0xffff  }
0x353: {  	v34 =	vor.u32 s1, v16;
	v35 =	vand.u32 $0x7F, v26;
	v33 =	vand.u32 $0xFFFFFC00, v33;
	v30 =	vld.idx.msk [tilespmem:v30+s25+$0x0], $0xffff  }
0x354: {  	v22 =	vadd.f32 v22, v17;
	v28 =	vor.u32 v31, v28;
	v31 =	vor.u32 v35, v33  }
0x355: {  	v31 =	vadd.s32 v9, v31  }
0x356: {  	[tilespmem:v32+s26+$0x0] =	vst.idx.msk $0xffff, v22;
	_ =	sdelay $0x1  }
0x357: {  	[tilespmem:v34+s26+$0x0] =	vst.idx.msk $0xffff, v27  }
0x358: {  	vm0 =	vlt.f32 v29, v30;
	v27 =	vmin.f32 v29, v30;
	v22 =	vld.idx.msk [tilespmem:v28+s20+$0x0], $0xffff  }
0x359: {  	vm1 =	vmneg vm0;
	v27 =	vmul.f32 v27, v20;
	v29 =	vsel vm0, $0x1, v8;
	v28 =	vld.idx.msk [tilespmem:v31+s25+$0x0], $0xffff  }
0x35a: {  	v24 =	vadd.s32 v29, v24;
	v29 =	vsel vm1, $0x1, v8  }
0x35b: {  	v30 =	vand.u32 $0xFFFFFF80, v24;
	v31 =	vadd.f32 v27, v19;
	v25 =	vadd.s32 v29, v25  }
0x35c: {  	v27 =	vand.u32 $0x7F, v24;
	v29 =	vadd.s32 v15, v30;
	v30 =	vshll.u32 v25, $0x3  }
0x35d: {  	v32 =	vand.u32 $0x7F, v25;
	v30 =	vand.u32 $0xFFFFFC00, v30  }
0x35e: {  	v29 =	vor.u32 v27, v29;
	v27 =	vor.u32 v32, v30;
	v30 =	vor.u32 s1, v21  }
0x35f: {  	v32 =	vadd.s32 v7, v27;
	vm0 =	vlt.f32 v22, v28;
	v22 =	vmin.f32 v22, v28  }
0x360: {  	s10 =	sadd.s32 $0x3, s9;
	s9 =	smov.u32 s11;
	vm1 =	vmneg vm0;
	v22 =	vmul.f32 v22, v18;
	v27 =	vsel vm0, $0x1, v8  }
0x361: {  	v33 =	vor.u32 s10, v16;
	v27 =	vadd.s32 v27, v23;
	v23 =	vsel vm1, $0x1, v8  }
0x362: {  	v26 =	vadd.s32 v23, v26;
	v23 =	vand.u32 $0xFFFFFF80, v27;
	v34 =	vand.u32 $0x7F, v27  }
.Ltmp6:
0x363: {  	v23 =	vadd.s32 v14, v23;
	v35 =	vand.u32 $0x7F, v26;
	v36 =	vshll.u32 v26, $0x3;
	v28 =	vld.idx.msk [tilespmem:v29+s20+$0x0], $0xffff;
	(pc) =	sbr.rel @p0 .LBB2_16-.Ltmp6, $4  }
0x364: {  	v29 =	vld.idx.msk [tilespmem:v32+s25+$0x0], $0xffff;
	v32 =	vadd.f32 v22, v17;
	v22 =	vor.u32 v34, v23;
	v23 =	vand.u32 $0xFFFFFC00, v36  }
0x365: {  	v23 =	vor.u32 v35, v23  }
0x366: {  	[tilespmem:v33+s26+$0x0] =	vst.idx.msk $0xffff, v31;
	v23 =	vadd.s32 v9, v23  }
0x367: {  	[tilespmem:v30+s26+$0x0] =	vst.idx.msk $0xffff, v32  }
0x368: {  	_ =	sdelay $0x3  }
0x369: {  	v22 =	vld.idx.msk [tilespmem:v22+s20+$0x0], $0xffff  }
0x36a: {  	v23 =	vld.idx.msk [tilespmem:v23+s25+$0x0], $0xffff;
	vm0 =	vlt.f32 v28, v29  }
0x36b: {  	vm1 =	vmneg vm0;
	v30 =	vsel vm0, $0x1, v8  }
0x36c: {  	v24 =	vadd.s32 v30, v24;
	v46 =	vsel vm1, $0x1, v8  }
0x36d: {  	v47 =	vmin.f32 v28, v29;
	v25 =	vadd.s32 v46, v25;
	v48 =	vand.u32 $0xFFFFFF80, v24  }
0x36e: {  	v32 =	vand.u32 $0x7F, v24;
	v29 =	vadd.s32 v15, v48;
	v31 =	vshll.u32 v25, $0x3  }
0x36f: {  	v30 =	vand.u32 $0x7F, v25;
	vm5 =	vlt.f32 v22, v23;
	v31 =	vand.u32 $0xFFFFFC00, v31  }
0x370: {  	v29 =	vor.u32 v32, v29;
	vm6 =	vmneg vm5;
	v30 =	vor.u32 v30, v31  }
0x371: {  	v49 =	vsel vm5, $0x1, v8;
	v50 =	vsel vm6, $0x1, v8;
	v30 =	vadd.s32 v7, v30  }
0x372: {  	v33 =	vor.u32 s9, v16;
	v27 =	vadd.s32 v49, v27;
	v26 =	vadd.s32 v50, v26  }
0x373: {  	v31 =	vand.u32 $0xFFFFFF80, v27;
	v51 =	vand.u32 $0x7F, v27;
	v34 =	vshll.u32 v26, $0x3  }
0x374: {  	v31 =	vadd.s32 v14, v31;
	v35 =	vand.u32 $0x7F, v26;
	v34 =	vand.u32 $0xFFFFFC00, v34  }
0x375: {  	v28 =	vmul.f32 v47, v20;
	v31 =	vor.u32 v51, v31;
	v29 =	vld.idx.msk [tilespmem:v29+s20+$0x0], $0xffff;
	v52 =	vor.u32 v35, v34  }
0x376: {  	v32 =	vadd.s32 v9, v52;
	v30 =	vld.idx.msk [tilespmem:v30+s25+$0x0], $0xffff  }
0x377: {  	v28 =	vadd.f32 v28, v19;
	_ =	sdelay $0x1  }
0x378: {  	[tilespmem:v33+s26+$0x0] =	vst.idx.msk $0xffff, v28  }
0x379: {  	v28 =	vld.idx.msk [tilespmem:v31+s20+$0x0], $0xffff  }
0x37a: {  	v31 =	vld.idx.msk [tilespmem:v32+s25+$0x0], $0xffff;
	vm7 =	vlt.f32 v29, v30  }
0x37b: {  	s0 =	sadd.s32 $0x1, s9;
	v53 =	vsel vm7, $0x1, v8  }
0x37c: {  	v54 =	vor.u32 s0, v16;
	vm0 =	vmneg vm7;
	v24 =	vadd.s32 v53, v24  }
0x37d: {  	v29 =	vmin.f32 v29, v30;
	v55 =	vsel vm0, $0x1, v8;
	v56 =	vand.u32 $0xFFFFFF80, v24  }
0x37e: {  	v25 =	vadd.s32 v55, v25;
	v57 =	vand.u32 $0x7F, v24;
	v33 =	vadd.s32 v15, v56  }
0x37f: {  	v58 =	vshll.u32 v25, $0x3;
	v59 =	vand.u32 $0x7F, v25;
	vm8 =	vlt.f32 v28, v31  }
0x380: {  	v34 =	vand.u32 $0xFFFFFC00, v58;
	v32 =	vor.u32 v57, v33;
	vm9 =	vmneg vm8  }
0x381: {  	v61 =	vsel vm8, $0x1, v8;
	v60 =	vor.u32 v59, v34;
	v62 =	vsel vm9, $0x1, v8  }
0x382: {  	v27 =	vadd.s32 v61, v27;
	v33 =	vadd.s32 v7, v60;
	v26 =	vadd.s32 v62, v26  }
0x383: {  	v34 =	vand.u32 $0xFFFFFF80, v27;
	v63 =	vand.u32 $0x7F, v27;
	v36 =	vshll.u32 v26, $0x3  }
0x384: {  	v34 =	vadd.s32 v14, v34;
	v37 =	vand.u32 $0x7F, v26;
	v36 =	vand.u32 $0xFFFFFC00, v36  }
0x385: {  	v29 =	vmul.f32 v29, v20;
	v34 =	vor.u32 v63, v34;
	v37 =	vor.u32 v37, v36  }
0x386: {  	v35 =	vadd.s32 v9, v37  }
0x387: {  	v29 =	vadd.f32 v29, v19  }
0x388: {  	v32 =	vld.idx.msk [tilespmem:v32+s20+$0x0], $0xffff  }
0x389: {  	[tilespmem:v54+s26+$0x0] =	vst.idx.msk $0xffff, v29;
	v33 =	vld.idx.msk [tilespmem:v33+s25+$0x0], $0xffff  }
0x38a: {  	v29 =	vld.idx.msk [tilespmem:v34+s20+$0x0], $0xffff  }
0x38b: {  	v30 =	vld.idx.msk [tilespmem:v35+s25+$0x0], $0xffff;
	_ =	sdelay $0x2  }
0x38c: {  	s1 =	sadd.s32 $0x2, s9;
	vm10 =	vlt.f32 v32, v33  }
0x38d: {  	v44 =	vor.u32 s1, v16;
	v32 =	vmin.f32 v32, v33;
	vm11 =	vmneg vm10  }
0x38e: {  	v32 =	vmul.f32 v32, v20;
	v38 =	vsel vm10, $0x1, v8;
	vm12 =	vlt.f32 v29, v30  }
0x38f: {  	v39 =	vsel vm11, $0x1, v8;
	v24 =	vadd.s32 v38, v24;
	vm13 =	vmneg vm12  }
0x390: {  	v33 =	vand.u32 $0xFFFFFF80, v24;
	v40 =	vsel vm12, $0x1, v8;
	v41 =	vsel vm13, $0x1, v8  }
0x391: {  	v15 =	vadd.s32 v15, v33;
	v27 =	vadd.s32 v40, v27;
	v26 =	vadd.s32 v41, v26  }
0x392: {  	v42 =	vand.u32 $0xFFFFFF80, v27;
	v34 =	vand.u32 $0x7F, v27;
	v43 =	vshll.u32 v26, $0x3  }
0x393: {  	v33 =	vadd.s32 v14, v42;
	v45 =	vand.u32 $0x7F, v26;
	v35 =	vand.u32 $0xFFFFFC00, v43  }
0x394: {  	v25 =	vadd.s32 v39, v25;
	v33 =	vor.u32 v34, v33;
	v34 =	vor.u32 v45, v35  }
0x395: {  	v24 =	vand.u32 $0x7F, v24;
	v46 =	vshll.u32 v25, $0x3;
	v34 =	vadd.s32 v9, v34  }
0x396: {  	v48 =	vadd.f32 v32, v19;
	v25 =	vand.u32 $0x7F, v25;
	v35 =	vand.u32 $0xFFFFFC00, v46  }
0x397: {  	v15 =	vor.u32 v24, v15;
	v47 =	vor.u32 v25, v35  }
0x398: {  	[tilespmem:v44+s26+$0x0] =	vst.idx.msk $0xffff, v48;
	v24 =	vadd.s32 v7, v47  }
0x399: {  	v25 =	vld.idx.msk [tilespmem:v33+s20+$0x0], $0xffff  }
0x39a: {  	v49 =	vld.idx.msk [tilespmem:v34+s25+$0x0], $0xffff;
	_ =	sdelay $0x1  }
0x39b: {  	v15 =	vld.idx.msk [tilespmem:v15+s20+$0x0], $0xffff  }
0x39c: {  	v24 =	vld.idx.msk [tilespmem:v24+s25+$0x0], $0xffff;
	_ =	sdelay $0x1  }
0x39d: {  	vm14 =	vlt.f32 v25, v49  }
0x39e: {  	s2 =	sadd.s32 $0x3, s9;
	vm15 =	vmneg vm14  }
0x39f: {  	v52 =	vor.u32 s2, v16;
	v50 =	vsel vm14, $0x1, v8;
	v51 =	vsel vm15, $0x1, v8  }
0x3a0: {  	v15 =	vmin.f32 v15, v24;
	v24 =	vadd.s32 v50, v27;
	v26 =	vadd.s32 v51, v26  }
0x3a1: {  	v27 =	vand.u32 $0xFFFFFF80, v24;
	v24 =	vand.u32 $0x7F, v24;
	v33 =	vshll.u32 v26, $0x3  }
0x3a2: {  	v14 =	vadd.s32 v14, v27;
	v26 =	vand.u32 $0x7F, v26;
	v53 =	vand.u32 $0xFFFFFC00, v33  }
0x3a3: {  	v15 =	vmul.f32 v15, v20;
	v14 =	vor.u32 v24, v14;
	v54 =	vor.u32 v26, v53  }
0x3a4: {  	v20 =	vadd.s32 v9, v54  }
0x3a5: {  	v15 =	vadd.f32 v15, v19;
	_ =	sdelay $0x1  }
0x3a6: {  	[tilespmem:v52+s26+$0x0] =	vst.idx.msk $0xffff, v15  }
0x3a7: {  	v14 =	vld.idx.msk [tilespmem:v14+s20+$0x0], $0xffff  }
0x3a8: {  	v55 =	vmin.f32 v28, v31;
	v56 =	vld.idx.msk [tilespmem:v20+s25+$0x0], $0xffff  }
0x3a9: {  	v57 =	vor.u32 s10, v21;
	v16 =	vmul.f32 v55, v18;
	v58 =	vor.u32 s9, v21  }
0x3aa: {  	v59 =	vor.u32 s0, v21;
	v61 =	vor.u32 s1, v21;
	v15 =	vmin.f32 v22, v23  }
0x3ab: {  	v16 =	vadd.f32 v16, v17;
	v25 =	vmin.f32 v25, v49;
	v15 =	vmul.f32 v15, v18  }
0x3ac: {  	s8 =	sadd.s32 $0x1, s8;
	v62 =	vor.u32 s2, v21;
	v60 =	vmin.f32 v29, v30;
	v25 =	vmul.f32 v25, v18  }
0x3ad: {  	p0 =	sne.s32 s8, $0x4;
	v24 =	vmul.f32 v60, v18;
	v15 =	vadd.f32 v15, v17;
	v14 =	vmin.f32 v14, v56  }
.Ltmp7:
0x3ae: {  	[tilespmem:v58+s26+$0x0] =	vst.idx.msk $0xffff, v16;
	v63 =	vadd.f32 v25, v17;
	v14 =	vmul.f32 v14, v18;
	(pc) =	sbr.rel @p0 .LBB2_11-.Ltmp7, $4  }
0x3af: {  	[tilespmem:v57+s26+$0x0] =	vst.idx.msk $0xffff, v15;
	v15 =	vadd.f32 v24, v17  }
0x3b0: {  	[tilespmem:v61+s26+$0x0] =	vst.idx.msk $0xffff, v63;
	v14 =	vadd.f32 v14, v17  }
0x3b1: {  	[tilespmem:v59+s26+$0x0] =	vst.idx.msk $0xffff, v15  }
0x3b2: {  	[tilespmem:v62+s26+$0x0] =	vst.idx.msk $0xffff, v14  }
0x3b3: {  	s0 =	rddreg [dreg:$0x10];
	s31 =	sadd.s32 $0x1, s31  }
0x3b4: {  	s1 =	rddreg [dreg:$0x6];
	s0 =	sshll.u32 s0, $0x5;
	p0 =	sne.s32 s31, $0x8  }
.Ltmp8:
0x3b5: {  	s30 =	simm.s32 $0x3;
	s0 =	sadd.s32 s1, s0;
	(pc) =	sbr.rel @p0 .LBB2_2-.Ltmp8, $4  }
0x3b6: {  	[hbm4b:s0+s4] =	stream.linear.scatter [tilespmem:s26], [sflag:$0x3], $0x8000, $0x38;
	[tilespmem:$0x1B200] =	vst v63  }
0x3b7: {  	_ =	swait.ge [sflag:s30], $0x8000  }
0x3b8: {  	[sflag:s30] =	ssyncset.done $0x0  }
0x3b9: {  	[sflag:s30] =	ssyncadd.s32 $0xFFFF8000  }
0x3ba: {  	s1 =	rddreg [dreg:$0xf]  }
0x3bb: {  	s0 =	rddreg [dreg:$0xd];
	s1 =	sadd.s32 $0x1, s1  }
0x3bc: {  	p0 =	sne.s32 s1, s0  }
.Ltmp9:
0x3bd: {  	_ = 	snop;
	(pc) =	sbr.rel @p0 .LBB2_1-.Ltmp9, $1  }
0x3be: {  	_ =	sdelay $0x3  }
0x3bf: {  	_ =	sfence.sel $0x180000  }
0x3c0: {  	[bflag:$0x0] =	sbarrier.arrive $0xFFFF  }
0x3c1: {  	_ =	strace $0x90000047  }
0x3c2: {  	s0 =	stileid.u32;
	[bflag:$0x2] =	sbarrier.arrive $0xFFFF  }
0x3c3: {  	p0 =	sne.s32 s0, $0x0;
	s0 =	rddreg [dreg:$0x4]  }
0x3c4: {  	s0 =	sadd.s32 @!p0 $0x100000, s0  }
0x3c5: {  	[sflag:s0] =	ssyncadd.tile.s32 @!p0 $0x1;
	_ =	shalt  }
.Lfunc_end2:
_tile_overlayer_lowered:
.L_overlay_start_2:
0x3c6: {  	(tag) =	ssettag $0x2  }
0x3c7: {  	s0 =	rddreg [dreg:$0x0];
	s2 =	stileid.u32  }
0x3c8: {  	s1 =	rddreg [dreg:$0x1];
	p0 =	sne.s32 s2, $0x0  }
0x3c9: {  	s3 =	rddreg [dreg:$0x2];
	[bflag:$0x3] =	sbarrier.arrive $0xFFFF;
	s2 =	simm.s32 @!p0 $0x1C03  }
0x3ca: {  	[timem:s3], [sflag:s2] =	dma.local @!p0 [hbm:s0], s1  }
0x3cb: {  	s0 =	simm.s32 @!p0 $0x3  }
0x3cc: {  	_ =	swait.ge @!p0 [sflag:s0], s1  }
0x3cd: {  	s1 =	ssub.s32 @!p0 $0x0, s1;
	[sflag:s0] =	ssyncset.done @!p0 $0x0  }
0x3ce: {  	[sflag:s0] =	ssyncadd.s32 @!p0 s1  }
0x3cf: {  	[bflag:$0x3] =	sbarrier.arrive $0xFFFF  }
0x3d0: {  	_ =	shalt  }

</sc_bundles>
